<compile_context>
chip_gen: v7x
topology: tpu7x:2x2x1
jax: 0.10.2.dev20260603
libtpu: 0.0.44.dev20260713+nightly
codegen_flags: <defaults>
</compile_context>

<pallas_src>
import functools

import jax
import jax.numpy as jnp
from jax import lax
from jax.experimental import pallas as pl
from jax.experimental.pallas import tpu as pltpu
from jax.experimental.pallas import tpu_sc as plsc

NC = 2
NS = 16
NW = NC * NS
CHUNK = 128
GQ = 16
D = 128
NG = 128
BM = 1024
EPS = 1e-4



def _deg_call(dst_p, ones16, n_pad, e_pad):
    rows_per_tile = n_pad // NS
    ew = e_pad // NW
    steps = ew // CHUNK
    mesh = plsc.VectorSubcoreMesh(core_axis_name="c", subcore_axis_name="s")

    @functools.partial(
        pl.kernel,
        out_type=jax.ShapeDtypeStruct((NC, n_pad, 16), jnp.float32),
        mesh=mesh,
        scratch_types=[
            pltpu.VMEM((CHUNK,), jnp.int32),
            pltpu.VMEM((CHUNK, 16), jnp.float32),
            pltpu.VMEM((CHUNK, 16), jnp.float32),
            pltpu.VMEM_SHARED((n_pad, 16), jnp.float32),
        ],
    )
    def k(dst_hbm, ones_hbm, out_hbm, idx_v, ones_v, zb_v, acc):
        c = lax.axis_index("c")
        s = lax.axis_index("s")
        w = s * NC + c

        pltpu.sync_copy(ones_hbm.at[0], ones_v)
        pltpu.sync_copy(ones_hbm.at[1], zb_v)
        for j in range(rows_per_tile // CHUNK):
            pltpu.sync_copy(zb_v, acc.at[pl.ds(s * rows_per_tile + j * CHUNK, CHUNK)])
        plsc.subcore_barrier()

        base = w * ew

        def step(i, _):
            pltpu.sync_copy(dst_hbm.at[pl.ds(base + i * CHUNK, CHUNK)], idx_v)
            pltpu.sync_copy(ones_v, acc.at[idx_v], add=True)
            return 0
        lax.fori_loop(0, steps, step, 0)
        plsc.subcore_barrier()
        pltpu.sync_copy(acc.at[pl.ds(s * rows_per_tile, rows_per_tile)],
                        out_hbm.at[c, pl.ds(s * rows_per_tile, rows_per_tile)])

    return k(dst_p, ones16)


def _agg_call(g, src_p, dst_p, zrow, n_pad, e_pad):
    rows_per_tile = n_pad // NS
    ew = e_pad // NW
    steps = ew // CHUNK
    mesh = plsc.VectorSubcoreMesh(core_axis_name="c", subcore_axis_name="s")

    @functools.partial(
        pl.kernel,
        out_type=jax.ShapeDtypeStruct((NC, n_pad, D), jnp.float32),
        mesh=mesh,
        scratch_types=[
            pltpu.VMEM((CHUNK,), jnp.int32),
            pltpu.VMEM((CHUNK,), jnp.int32),
            pltpu.VMEM((CHUNK, D), jnp.float32),
            pltpu.VMEM_SHARED((n_pad, D), jnp.float32),
            pltpu.SemaphoreType.DMA,
        ],
    )
    def k(g_hbm, src_hbm, dst_hbm, z_hbm, out_hbm, sidx, didx, rows, acc, sem0):
        c = lax.axis_index("c")
        s = lax.axis_index("s")
        w = s * NC + c

        pltpu.sync_copy(z_hbm, rows)
        for j in range(rows_per_tile // CHUNK):
            pltpu.sync_copy(rows, acc.at[pl.ds(s * rows_per_tile + j * CHUNK, CHUNK)])
        plsc.subcore_barrier()

        base = w * ew

        def step(i, _):
            pltpu.sync_copy(src_hbm.at[pl.ds(base + i * CHUNK, CHUNK)], sidx)
            pltpu.sync_copy(dst_hbm.at[pl.ds(base + i * CHUNK, CHUNK)], didx)
            pltpu.async_copy(g_hbm.at[sidx], rows, sem0).wait()
            pltpu.sync_copy(rows, acc.at[didx], add=True)
            return 0
        lax.fori_loop(0, steps, step, 0)
        plsc.subcore_barrier()
        pltpu.sync_copy(acc.at[pl.ds(s * rows_per_tile, rows_per_tile)],
                        out_hbm.at[c, pl.ds(s * rows_per_tile, rows_per_tile)])

    return k(g, src_p, dst_p, zrow)



def _dinv_of(dp):
    return lax.rsqrt(1.0 + dp[0, :, :1] + dp[1, :, :1])


def _prep_body(dp_ref, x_ref, w_ref, t_ref, g_ref):
    dinv = _dinv_of(dp_ref[...])
    t = jnp.dot(x_ref[...], w_ref[...], preferred_element_type=jnp.float32)
    t_ref[...] = t
    g_ref[...] = t * dinv


def _layer_body(p_ref, t_ref, dp_ref, b_ref, w_ref, tn_ref, gn_ref):
    dinv = _dinv_of(dp_ref[...])
    p = p_ref[...]
    h = jnp.maximum(dinv * (p[0] + p[1]) + (dinv * dinv) * t_ref[...] + b_ref[...], 0.0)
    t = jnp.dot(h, w_ref[...], preferred_element_type=jnp.float32)
    tn_ref[...] = t
    gn_ref[...] = t * dinv


def _readout_body(p_ref, t_ref, dp_ref, b_ref, batch_ref, proto_ref, lw_ref,
                  out_ref, acc_s, acc_c):
    i = pl.program_id(0)

    @pl.when(i == 0)
    def _():
        acc_s[...] = jnp.zeros_like(acc_s)
        acc_c[...] = jnp.zeros_like(acc_c)

    dinv = _dinv_of(dp_ref[...])
    p = p_ref[...]
    h = jnp.maximum(dinv * (p[0] + p[1]) + (dinv * dinv) * t_ref[...] + b_ref[...], 0.0)
    b_ids = batch_ref[...].reshape(1, BM)
    gids = lax.broadcasted_iota(jnp.int32, (NG, BM), 0)
    onehot_t = jnp.where(gids == b_ids, 1.0, 0.0)
    acc_s[...] += jnp.dot(onehot_t, h, preferred_element_type=jnp.float32)
    acc_c[...] += jnp.sum(onehot_t, axis=1, keepdims=True)

    @pl.when(i == pl.num_programs(0) - 1)
    def _():
        cnt = jnp.maximum(acc_c[...], 1.0)
        emb = acc_s[...] / cnt
        proto = proto_ref[...]
        gsz = proto.shape[1]
        pg = proto[:, 0, :]
        for j in range(1, gsz):
            pg = pg + proto[:, j, :]
        pg = pg * (1.0 / gsz)
        cross = lax.dot_general(emb, pg, (((1,), (1,)), ((), ())),
                                preferred_element_type=jnp.float32)
        d2 = (jnp.sum(emb * emb, axis=1, keepdims=True)
              + jnp.sum(pg * pg, axis=1)[None, :]
              - 2.0 * cross)
        d2 = jnp.maximum(d2, 0.0)
        sim = jnp.log((d2 + 1.0) / (d2 + EPS))
        out_ref[...] = lax.dot_general(sim, lw_ref[...], (((1,), (1,)), ((), ())),
                                       preferred_element_type=jnp.float32)



def kernel(x, edge_index, batch, W0, b0, W1, b1, W2, b2, proto_node_emb, last_w):
    n, d = x.shape
    n_pad = ((n + BM - 1) // BM) * BM
    e = edge_index.shape[1]
    eq = NW * CHUNK * 8
    e_pad = ((e + eq - 1) // eq) * eq

    src_p = jnp.concatenate(
        [edge_index[0].astype(jnp.int32),
         jnp.full((e_pad - e,), n_pad - 1, jnp.int32)])
    dst_p = jnp.concatenate(
        [edge_index[1].astype(jnp.int32),
         jnp.full((e_pad - e,), n_pad - 1, jnp.int32)])
    x_p = jnp.pad(x, ((0, n_pad - n), (0, 0)))
    batch3 = jnp.pad(batch.astype(jnp.int32), (0, n_pad - n),
                     constant_values=NG).reshape(n_pad // BM, 1, BM)
    b0r, b1r, b2r = (b.reshape(1, d) for b in (b0, b1, b2))

    nblk = n_pad // BM
    onesz16 = jnp.stack([jnp.ones((CHUNK, 16), jnp.float32),
                         jnp.zeros((CHUNK, 16), jnp.float32)])
    zrow = jnp.zeros((CHUNK, d), jnp.float32)
    degparts = _deg_call(dst_p, onesz16, n_pad, e_pad)

    dp_spec = pl.BlockSpec((2, BM, 16), lambda i: (0, i, 0))
    row_spec = pl.BlockSpec((BM, d), lambda i: (i, 0))
    mat_spec = pl.BlockSpec((d, d), lambda i: (0, 0))
    p_spec = pl.BlockSpec((2, BM, d), lambda i: (0, i, 0))
    td2 = [jax.ShapeDtypeStruct((n_pad, d), jnp.float32)] * 2

    t0, g0 = pl.pallas_call(
        _prep_body, grid=(nblk,),
        in_specs=[dp_spec, row_spec, mat_spec],
        out_specs=[row_spec, row_spec], out_shape=td2,
    )(degparts, x_p, W0)

    p = _agg_call(g0, src_p, dst_p, zrow, n_pad, e_pad)

    bias_spec = pl.BlockSpec((1, d), lambda i: (0, 0))
    layer = pl.pallas_call(
        _layer_body, grid=(nblk,),
        in_specs=[p_spec, row_spec, dp_spec, bias_spec, mat_spec],
        out_specs=[row_spec, row_spec], out_shape=td2,
    )
    t1, g1 = layer(p, t0, degparts, b0r, W1)
    p = _agg_call(g1, src_p, dst_p, zrow, n_pad, e_pad)
    t2, g2 = layer(p, t1, degparts, b1r, W2)
    p = _agg_call(g2, src_p, dst_p, zrow, n_pad, e_pad)

    np_, gsz, _ = proto_node_emb.shape
    c = last_w.shape[0]
    logits = pl.pallas_call(
        _readout_body, grid=(nblk,),
        in_specs=[p_spec, row_spec, dp_spec, bias_spec,
                  pl.BlockSpec((1, 1, BM), lambda i: (i, 0, 0)),
                  pl.BlockSpec((np_, gsz, d), lambda i: (0, 0, 0)),
                  pl.BlockSpec((c, np_), lambda i: (0, 0))],
        out_specs=pl.BlockSpec((NG, c), lambda i: (0, 0)),
        out_shape=jax.ShapeDtypeStruct((NG, c), jnp.float32),
        scratch_shapes=[pltpu.VMEM((NG, d), jnp.float32),
                        pltpu.VMEM((NG, 1), jnp.float32)],
    )(p, t2, degparts, b2r, batch3, proto_node_emb, last_w)
    return logits

# --- scband reference (transcript-rebuilt; emitter-appended) ---
"""Pipeline reference for scband-gcnnet-38783554683010 (READ-ONLY COPY).

The authoritative reference and input builder live on the scoring server;
editing this copy changes nothing except your own understanding.
"""

import jax, jax.numpy as jnp
import numpy as np

N = 10000      # nodes
E = 320000     # edges
D = 128        # feature dim (input_dim == latent dims)
NG = 128       # number of graphs in the batch
P = 30         # num_prototypes = output_dim * num_prototypes_per_class
G = 20         # graph_size (prototype nodes)
C = 6          # output_dim (classes)
EPS = 1e-4


def setup_inputs(seed: int = 0) -> dict:
    key = jax.random.key(seed)
    ks = jax.random.split(key, 12)
    x = jax.random.normal(ks[0], (N, D), dtype=jnp.float32)
    edge_index = jax.random.randint(ks[1], (2, E), 0, N)
    batch = jnp.sort(jax.random.randint(ks[2], (N,), 0, NG))
    s = 1.0 / np.sqrt(D)
    W0 = jax.random.uniform(ks[3], (D, D), dtype=jnp.float32, minval=-s, maxval=s)
    b0 = jnp.zeros((D,), dtype=jnp.float32)
    W1 = jax.random.uniform(ks[4], (D, D), dtype=jnp.float32, minval=-s, maxval=s)
    b1 = jnp.zeros((D,), dtype=jnp.float32)
    W2 = jax.random.uniform(ks[5], (D, D), dtype=jnp.float32, minval=-s, maxval=s)
    b2 = jnp.zeros((D,), dtype=jnp.float32)
    proto_node_emb = jax.random.uniform(ks[6], (P, G, D), dtype=jnp.float32, minval=-s, maxval=s)
    last_w = jax.random.uniform(ks[7], (C, P), dtype=jnp.float32, minval=-s, maxval=s)
    return {"x": x, "edge_index": edge_index, "batch": batch,
            "W0": W0, "b0": b0, "W1": W1, "b1": b1, "W2": W2, "b2": b2,
            "proto_node_emb": proto_node_emb, "last_w": last_w}


def _gcn_conv(h, src, dst, W, b, n_nodes):
    # h: [N, Din]; symmetric-normalized GCN conv with self-loops already in src/dst
    h = h @ W
    deg = jax.ops.segment_sum(jnp.ones_like(dst, dtype=h.dtype), dst, num_segments=n_nodes)
    dinv = jax.lax.rsqrt(jnp.clip(deg, 1.0, None))
    norm = dinv[src] * dinv[dst]
    msg = h[src] * norm[:, None]
    out = jnp.zeros((n_nodes, h.shape[1]), dtype=h.dtype).at[dst].add(msg)
    return out + b


def reference(x, edge_index, batch, W0, b0, W1, b1, W2, b2, proto_node_emb, last_w):
    n_nodes = x.shape[0]
    loops = jnp.arange(n_nodes, dtype=edge_index.dtype)
    src = jnp.concatenate([edge_index[0], loops])
    dst = jnp.concatenate([edge_index[1], loops])
    h = x
    for (W, b) in ((W0, b0), (W1, b1), (W2, b2)):
        h = _gcn_conv(h, src, dst, W, b, n_nodes)
        h = jax.nn.relu(h)
    # mean readout per graph
    sums = jax.ops.segment_sum(h, batch, num_segments=NG)
    cnt = jax.ops.segment_sum(jnp.ones((n_nodes,), dtype=h.dtype), batch, num_segments=NG)
    graph_emb = sums / jnp.clip(cnt, 1.0, None)[:, None]
    # prototype node emb -> graph emb (mean readout)
    proto_g = proto_node_emb.mean(axis=1)  # [P, D]
    # squared euclidean distance -> ProtoPNet-style similarity
    d2 = jnp.sum((graph_emb[:, None, :] - proto_g[None, :, :]) ** 2, axis=-1)  # [NG, P]
    sim = jnp.log((d2 + 1.0) / (d2 + EPS))
    logits = sim @ last_w.T  # [NG, C]
    return logits


if False:  # reference __main__ guard neutralized (emitter)
    out = reference(**setup_inputs())
    print(out.shape, out.dtype)

if __name__ == "__main__":
    import jax
    _d = setup_inputs()
    print(jax.jit(kernel)(*tuple(_d.values())))

</pallas_src>

<mosaic_0001>
#map = affine_map<(d0, d1) -> (0)>
#map1 = affine_map<(d0, d1) -> (0, 0, 0)>
module attributes {stable_mosaic.version = 14 : i64} {
  func.func @k(%arg0: i32, %arg1: i32, %arg2: memref<327680xi32, #tpu.memory_space<hbm>>, %arg3: memref<2x128x16xf32, #tpu.memory_space<hbm>>, %arg4: memref<2x10240x16xf32, #tpu.memory_space<hbm>>, %arg5: memref<128xi32, #tpu.memory_space<vmem>>, %arg6: memref<128x16xf32, #tpu.memory_space<vmem>>, %arg7: memref<128x16xf32, #tpu.memory_space<vmem>>, %arg8: memref<10240x16xf32, #tpu.memory_space<vmem_shared>>) attributes {dimension_semantics = [#tpu.dimension_semantics<core_parallel>, #tpu.dimension_semantics<subcore_parallel>], iteration_bounds = array<i64: 2, 16>, scalar_prefetch = 0 : i64, scratch_operands = 4 : i64, tpu.core_type = #tpu.core_type<sc_vector_subcore>, window_params = [{transform_indices = #map}, {transform_indices = #map1}, {transform_indices = #map1}]} {
    %mul3A = arith.constant 2 : i32
    %mul3A_0 = arith.muli %arg1, %mul3A : i32
    %add3A = arith.addi %mul3A_0, %arg0 : i32
    %run_scoped3A = arith.constant 0 : i32
    "tpu.region"() ({
      %run_scoped3A_35 = tpu.sem_alloc : memref<!tpu.dma_semaphore, #tpu.memory_space<semaphore_mem>>
      %dma_start3A = arith.constant 0 : i32
      %dma_start3A_36 = arith.constant 0 : i32
      %dma_start3A_37 = tpu.memref_slice %arg3[%run_scoped3A, %dma_start3A, %dma_start3A_36] : memref<2x128x16xf32, #tpu.memory_space<hbm>> -> memref<1x128x16xf32, #tpu.memory_space<hbm>>
      %dma_start3A_38 = tpu.memref_squeeze %dma_start3A_37 : memref<1x128x16xf32, #tpu.memory_space<hbm>> -> memref<128x16xf32, #tpu.memory_space<hbm>>
      %dma_start3A_39 = arith.constant 0 : i32
      %dma_start3A_40 = arith.constant 0 : i32
      %dma_start3A_41 = tpu.memref_slice %arg3[%run_scoped3A, %dma_start3A_39, %dma_start3A_40] : memref<2x128x16xf32, #tpu.memory_space<hbm>> -> memref<1x128x16xf32, #tpu.memory_space<hbm>>
      %dma_start3A_42 = tpu.memref_squeeze %dma_start3A_41 : memref<1x128x16xf32, #tpu.memory_space<hbm>> -> memref<128x16xf32, #tpu.memory_space<hbm>>
      tpu.enqueue_dma source(%dma_start3A_42 : memref<128x16xf32, #tpu.memory_space<hbm>>) target(%arg6 : memref<128x16xf32, #tpu.memory_space<vmem>>) target_semaphore(%run_scoped3A_35 : memref<!tpu.dma_semaphore, #tpu.memory_space<semaphore_mem>>)
      %dma_wait3A = arith.constant 0 : i32
      %dma_wait3A_43 = arith.constant 0 : i32
      %dma_wait3A_44 = tpu.memref_slice %arg3[%run_scoped3A, %dma_wait3A, %dma_wait3A_43] : memref<2x128x16xf32, #tpu.memory_space<hbm>> -> memref<1x128x16xf32, #tpu.memory_space<hbm>>
      %dma_wait3A_45 = tpu.memref_squeeze %dma_wait3A_44 : memref<1x128x16xf32, #tpu.memory_space<hbm>> -> memref<128x16xf32, #tpu.memory_space<hbm>>
      %dma_wait3A_46 = arith.constant 0 : i32
      %dma_wait3A_47 = arith.constant 0 : i32
      %dma_wait3A_48 = tpu.memref_slice %arg3[%run_scoped3A, %dma_wait3A_46, %dma_wait3A_47] : memref<2x128x16xf32, #tpu.memory_space<hbm>> -> memref<1x128x16xf32, #tpu.memory_space<hbm>>
      %dma_wait3A_49 = tpu.memref_squeeze %dma_wait3A_48 : memref<1x128x16xf32, #tpu.memory_space<hbm>> -> memref<128x16xf32, #tpu.memory_space<hbm>>
      tpu.wait_dma2 semaphore(%run_scoped3A_35 : memref<!tpu.dma_semaphore, #tpu.memory_space<semaphore_mem>>) src(%dma_wait3A_49 : memref<128x16xf32, #tpu.memory_space<hbm>>) dst(%arg6 : memref<128x16xf32, #tpu.memory_space<vmem>>)
      tpu.yield
    }) : () -> ()
    %run_scoped3A_1 = arith.constant 1 : i32
    "tpu.region"() ({
      %run_scoped3A_35 = tpu.sem_alloc : memref<!tpu.dma_semaphore, #tpu.memory_space<semaphore_mem>>
      %dma_start3A = arith.constant 0 : i32
      %dma_start3A_36 = arith.constant 0 : i32
      %dma_start3A_37 = tpu.memref_slice %arg3[%run_scoped3A_1, %dma_start3A, %dma_start3A_36] : memref<2x128x16xf32, #tpu.memory_space<hbm>> -> memref<1x128x16xf32, #tpu.memory_space<hbm>>
      %dma_start3A_38 = tpu.memref_squeeze %dma_start3A_37 : memref<1x128x16xf32, #tpu.memory_space<hbm>> -> memref<128x16xf32, #tpu.memory_space<hbm>>
      %dma_start3A_39 = arith.constant 0 : i32
      %dma_start3A_40 = arith.constant 0 : i32
      %dma_start3A_41 = tpu.memref_slice %arg3[%run_scoped3A_1, %dma_start3A_39, %dma_start3A_40] : memref<2x128x16xf32, #tpu.memory_space<hbm>> -> memref<1x128x16xf32, #tpu.memory_space<hbm>>
      %dma_start3A_42 = tpu.memref_squeeze %dma_start3A_41 : memref<1x128x16xf32, #tpu.memory_space<hbm>> -> memref<128x16xf32, #tpu.memory_space<hbm>>
      tpu.enqueue_dma source(%dma_start3A_42 : memref<128x16xf32, #tpu.memory_space<hbm>>) target(%arg7 : memref<128x16xf32, #tpu.memory_space<vmem>>) target_semaphore(%run_scoped3A_35 : memref<!tpu.dma_semaphore, #tpu.memory_space<semaphore_mem>>)
      %dma_wait3A = arith.constant 0 : i32
      %dma_wait3A_43 = arith.constant 0 : i32
      %dma_wait3A_44 = tpu.memref_slice %arg3[%run_scoped3A_1, %dma_wait3A, %dma_wait3A_43] : memref<2x128x16xf32, #tpu.memory_space<hbm>> -> memref<1x128x16xf32, #tpu.memory_space<hbm>>
      %dma_wait3A_45 = tpu.memref_squeeze %dma_wait3A_44 : memref<1x128x16xf32, #tpu.memory_space<hbm>> -> memref<128x16xf32, #tpu.memory_space<hbm>>
      %dma_wait3A_46 = arith.constant 0 : i32
      %dma_wait3A_47 = arith.constant 0 : i32
      %dma_wait3A_48 = tpu.memref_slice %arg3[%run_scoped3A_1, %dma_wait3A_46, %dma_wait3A_47] : memref<2x128x16xf32, #tpu.memory_space<hbm>> -> memref<1x128x16xf32, #tpu.memory_space<hbm>>
      %dma_wait3A_49 = tpu.memref_squeeze %dma_wait3A_48 : memref<1x128x16xf32, #tpu.memory_space<hbm>> -> memref<128x16xf32, #tpu.memory_space<hbm>>
      tpu.wait_dma2 semaphore(%run_scoped3A_35 : memref<!tpu.dma_semaphore, #tpu.memory_space<semaphore_mem>>) src(%dma_wait3A_49 : memref<128x16xf32, #tpu.memory_space<hbm>>) dst(%arg7 : memref<128x16xf32, #tpu.memory_space<vmem>>)
      tpu.yield
    }) : () -> ()
    %mul3A_2 = arith.constant 640 : i32
    %mul3A_3 = arith.muli %arg1, %mul3A_2 : i32
    %add3A_4 = arith.constant 0 : i32
    %add3A_5 = arith.addi %mul3A_3, %add3A_4 : i32
    "tpu.region"() ({
      %run_scoped3A_35 = tpu.sem_alloc : memref<!tpu.dma_semaphore, #tpu.memory_space<semaphore_mem>>
      %dma_start3A = arith.constant 0 : i32
      %dma_start3A_36 = tpu.memref_slice %arg8[%add3A_5, %dma_start3A] : memref<10240x16xf32, #tpu.memory_space<vmem_shared>> -> memref<128x16xf32, #tpu.memory_space<vmem_shared>>
      %dma_start3A_37 = arith.constant 0 : i32
      %dma_start3A_38 = tpu.memref_slice %arg8[%add3A_5, %dma_start3A_37] : memref<10240x16xf32, #tpu.memory_space<vmem_shared>> -> memref<128x16xf32, #tpu.memory_space<vmem_shared>>
      tpu.enqueue_dma source(%arg7 : memref<128x16xf32, #tpu.memory_space<vmem>>) target(%dma_start3A_38 : memref<128x16xf32, #tpu.memory_space<vmem_shared>>) target_semaphore(%run_scoped3A_35 : memref<!tpu.dma_semaphore, #tpu.memory_space<semaphore_mem>>)
      %dma_wait3A = arith.constant 0 : i32
      %dma_wait3A_39 = tpu.memref_slice %arg8[%add3A_5, %dma_wait3A] : memref<10240x16xf32, #tpu.memory_space<vmem_shared>> -> memref<128x16xf32, #tpu.memory_space<vmem_shared>>
      %dma_wait3A_40 = arith.constant 0 : i32
      %dma_wait3A_41 = tpu.memref_slice %arg8[%add3A_5, %dma_wait3A_40] : memref<10240x16xf32, #tpu.memory_space<vmem_shared>> -> memref<128x16xf32, #tpu.memory_space<vmem_shared>>
      tpu.wait_dma2 semaphore(%run_scoped3A_35 : memref<!tpu.dma_semaphore, #tpu.memory_space<semaphore_mem>>) src(%arg7 : memref<128x16xf32, #tpu.memory_space<vmem>>) dst(%dma_wait3A_41 : memref<128x16xf32, #tpu.memory_space<vmem_shared>>)
      tpu.yield
    }) : () -> ()
    %mul3A_6 = arith.constant 640 : i32
    %mul3A_7 = arith.muli %arg1, %mul3A_6 : i32
    %add3A_8 = arith.constant 128 : i32
    %add3A_9 = arith.addi %mul3A_7, %add3A_8 : i32
    "tpu.region"() ({
      %run_scoped3A_35 = tpu.sem_alloc : memref<!tpu.dma_semaphore, #tpu.memory_space<semaphore_mem>>
      %dma_start3A = arith.constant 0 : i32
      %dma_start3A_36 = tpu.memref_slice %arg8[%add3A_9, %dma_start3A] : memref<10240x16xf32, #tpu.memory_space<vmem_shared>> -> memref<128x16xf32, #tpu.memory_space<vmem_shared>>
      %dma_start3A_37 = arith.constant 0 : i32
      %dma_start3A_38 = tpu.memref_slice %arg8[%add3A_9, %dma_start3A_37] : memref<10240x16xf32, #tpu.memory_space<vmem_shared>> -> memref<128x16xf32, #tpu.memory_space<vmem_shared>>
      tpu.enqueue_dma source(%arg7 : memref<128x16xf32, #tpu.memory_space<vmem>>) target(%dma_start3A_38 : memref<128x16xf32, #tpu.memory_space<vmem_shared>>) target_semaphore(%run_scoped3A_35 : memref<!tpu.dma_semaphore, #tpu.memory_space<semaphore_mem>>)
      %dma_wait3A = arith.constant 0 : i32
      %dma_wait3A_39 = tpu.memref_slice %arg8[%add3A_9, %dma_wait3A] : memref<10240x16xf32, #tpu.memory_space<vmem_shared>> -> memref<128x16xf32, #tpu.memory_space<vmem_shared>>
      %dma_wait3A_40 = arith.constant 0 : i32
      %dma_wait3A_41 = tpu.memref_slice %arg8[%add3A_9, %dma_wait3A_40] : memref<10240x16xf32, #tpu.memory_space<vmem_shared>> -> memref<128x16xf32, #tpu.memory_space<vmem_shared>>
      tpu.wait_dma2 semaphore(%run_scoped3A_35 : memref<!tpu.dma_semaphore, #tpu.memory_space<semaphore_mem>>) src(%arg7 : memref<128x16xf32, #tpu.memory_space<vmem>>) dst(%dma_wait3A_41 : memref<128x16xf32, #tpu.memory_space<vmem_shared>>)
      tpu.yield
    }) : () -> ()
    %mul3A_10 = arith.constant 640 : i32
    %mul3A_11 = arith.muli %arg1, %mul3A_10 : i32
    %add3A_12 = arith.constant 256 : i32
    %add3A_13 = arith.addi %mul3A_11, %add3A_12 : i32
    "tpu.region"() ({
      %run_scoped3A_35 = tpu.sem_alloc : memref<!tpu.dma_semaphore, #tpu.memory_space<semaphore_mem>>
      %dma_start3A = arith.constant 0 : i32
      %dma_start3A_36 = tpu.memref_slice %arg8[%add3A_13, %dma_start3A] : memref<10240x16xf32, #tpu.memory_space<vmem_shared>> -> memref<128x16xf32, #tpu.memory_space<vmem_shared>>
      %dma_start3A_37 = arith.constant 0 : i32
      %dma_start3A_38 = tpu.memref_slice %arg8[%add3A_13, %dma_start3A_37] : memref<10240x16xf32, #tpu.memory_space<vmem_shared>> -> memref<128x16xf32, #tpu.memory_space<vmem_shared>>
      tpu.enqueue_dma source(%arg7 : memref<128x16xf32, #tpu.memory_space<vmem>>) target(%dma_start3A_38 : memref<128x16xf32, #tpu.memory_space<vmem_shared>>) target_semaphore(%run_scoped3A_35 : memref<!tpu.dma_semaphore, #tpu.memory_space<semaphore_mem>>)
      %dma_wait3A = arith.constant 0 : i32
      %dma_wait3A_39 = tpu.memref_slice %arg8[%add3A_13, %dma_wait3A] : memref<10240x16xf32, #tpu.memory_space<vmem_shared>> -> memref<128x16xf32, #tpu.memory_space<vmem_shared>>
      %dma_wait3A_40 = arith.constant 0 : i32
      %dma_wait3A_41 = tpu.memref_slice %arg8[%add3A_13, %dma_wait3A_40] : memref<10240x16xf32, #tpu.memory_space<vmem_shared>> -> memref<128x16xf32, #tpu.memory_space<vmem_shared>>
      tpu.wait_dma2 semaphore(%run_scoped3A_35 : memref<!tpu.dma_semaphore, #tpu.memory_space<semaphore_mem>>) src(%arg7 : memref<128x16xf32, #tpu.memory_space<vmem>>) dst(%dma_wait3A_41 : memref<128x16xf32, #tpu.memory_space<vmem_shared>>)
      tpu.yield
    }) : () -> ()
    %mul3A_14 = arith.constant 640 : i32
    %mul3A_15 = arith.muli %arg1, %mul3A_14 : i32
    %add3A_16 = arith.constant 384 : i32
    %add3A_17 = arith.addi %mul3A_15, %add3A_16 : i32
    "tpu.region"() ({
      %run_scoped3A_35 = tpu.sem_alloc : memref<!tpu.dma_semaphore, #tpu.memory_space<semaphore_mem>>
      %dma_start3A = arith.constant 0 : i32
      %dma_start3A_36 = tpu.memref_slice %arg8[%add3A_17, %dma_start3A] : memref<10240x16xf32, #tpu.memory_space<vmem_shared>> -> memref<128x16xf32, #tpu.memory_space<vmem_shared>>
      %dma_start3A_37 = arith.constant 0 : i32
      %dma_start3A_38 = tpu.memref_slice %arg8[%add3A_17, %dma_start3A_37] : memref<10240x16xf32, #tpu.memory_space<vmem_shared>> -> memref<128x16xf32, #tpu.memory_space<vmem_shared>>
      tpu.enqueue_dma source(%arg7 : memref<128x16xf32, #tpu.memory_space<vmem>>) target(%dma_start3A_38 : memref<128x16xf32, #tpu.memory_space<vmem_shared>>) target_semaphore(%run_scoped3A_35 : memref<!tpu.dma_semaphore, #tpu.memory_space<semaphore_mem>>)
      %dma_wait3A = arith.constant 0 : i32
      %dma_wait3A_39 = tpu.memref_slice %arg8[%add3A_17, %dma_wait3A] : memref<10240x16xf32, #tpu.memory_space<vmem_shared>> -> memref<128x16xf32, #tpu.memory_space<vmem_shared>>
      %dma_wait3A_40 = arith.constant 0 : i32
      %dma_wait3A_41 = tpu.memref_slice %arg8[%add3A_17, %dma_wait3A_40] : memref<10240x16xf32, #tpu.memory_space<vmem_shared>> -> memref<128x16xf32, #tpu.memory_space<vmem_shared>>
      tpu.wait_dma2 semaphore(%run_scoped3A_35 : memref<!tpu.dma_semaphore, #tpu.memory_space<semaphore_mem>>) src(%arg7 : memref<128x16xf32, #tpu.memory_space<vmem>>) dst(%dma_wait3A_41 : memref<128x16xf32, #tpu.memory_space<vmem_shared>>)
      tpu.yield
    }) : () -> ()
    %mul3A_18 = arith.constant 640 : i32
    %mul3A_19 = arith.muli %arg1, %mul3A_18 : i32
    %add3A_20 = arith.constant 512 : i32
    %add3A_21 = arith.addi %mul3A_19, %add3A_20 : i32
    "tpu.region"() ({
      %run_scoped3A_35 = tpu.sem_alloc : memref<!tpu.dma_semaphore, #tpu.memory_space<semaphore_mem>>
      %dma_start3A = arith.constant 0 : i32
      %dma_start3A_36 = tpu.memref_slice %arg8[%add3A_21, %dma_start3A] : memref<10240x16xf32, #tpu.memory_space<vmem_shared>> -> memref<128x16xf32, #tpu.memory_space<vmem_shared>>
      %dma_start3A_37 = arith.constant 0 : i32
      %dma_start3A_38 = tpu.memref_slice %arg8[%add3A_21, %dma_start3A_37] : memref<10240x16xf32, #tpu.memory_space<vmem_shared>> -> memref<128x16xf32, #tpu.memory_space<vmem_shared>>
      tpu.enqueue_dma source(%arg7 : memref<128x16xf32, #tpu.memory_space<vmem>>) target(%dma_start3A_38 : memref<128x16xf32, #tpu.memory_space<vmem_shared>>) target_semaphore(%run_scoped3A_35 : memref<!tpu.dma_semaphore, #tpu.memory_space<semaphore_mem>>)
      %dma_wait3A = arith.constant 0 : i32
      %dma_wait3A_39 = tpu.memref_slice %arg8[%add3A_21, %dma_wait3A] : memref<10240x16xf32, #tpu.memory_space<vmem_shared>> -> memref<128x16xf32, #tpu.memory_space<vmem_shared>>
      %dma_wait3A_40 = arith.constant 0 : i32
      %dma_wait3A_41 = tpu.memref_slice %arg8[%add3A_21, %dma_wait3A_40] : memref<10240x16xf32, #tpu.memory_space<vmem_shared>> -> memref<128x16xf32, #tpu.memory_space<vmem_shared>>
      tpu.wait_dma2 semaphore(%run_scoped3A_35 : memref<!tpu.dma_semaphore, #tpu.memory_space<semaphore_mem>>) src(%arg7 : memref<128x16xf32, #tpu.memory_space<vmem>>) dst(%dma_wait3A_41 : memref<128x16xf32, #tpu.memory_space<vmem_shared>>)
      tpu.yield
    }) : () -> ()
    %barrier3A = arith.constant 0 : index
    tpu.barrier barrier_id(%barrier3A)
    %mul3A_22 = arith.constant 10240 : i32
    %mul3A_23 = arith.muli %add3A, %mul3A_22 : i32
    %scan3A = arith.constant 0 : i32
    %scan3A_24 = arith.constant 0 : i32
    %scan3A_25 = arith.constant 80 : i32
    %scan3A_26 = arith.addi %scan3A_24, %scan3A_25 : i32
    %scan3A_27 = arith.constant 1 : i32
    %scan3A_28 = scf.for %scan3A_35 = %scan3A_24 to %scan3A_26 step %scan3A_27 iter_args(%scan3A_36 = %scan3A) -> (i32)  : i32 {
      %mul3A_37 = arith.constant 128 : i32
      %mul3A_38 = arith.muli %scan3A_35, %mul3A_37 : i32
      %add3A_39 = arith.addi %mul3A_23, %mul3A_38 : i32
      "tpu.region"() ({
        %run_scoped3A_41 = tpu.sem_alloc : memref<!tpu.dma_semaphore, #tpu.memory_space<semaphore_mem>>
        %dma_start3A = tpu.memref_slice %arg2[%add3A_39] : memref<327680xi32, #tpu.memory_space<hbm>> -> memref<128xi32, #tpu.memory_space<hbm>>
        %dma_start3A_42 = tpu.memref_slice %arg2[%add3A_39] : memref<327680xi32, #tpu.memory_space<hbm>> -> memref<128xi32, #tpu.memory_space<hbm>>
        tpu.enqueue_dma source(%dma_start3A_42 : memref<128xi32, #tpu.memory_space<hbm>>) target(%arg5 : memref<128xi32, #tpu.memory_space<vmem>>) target_semaphore(%run_scoped3A_41 : memref<!tpu.dma_semaphore, #tpu.memory_space<semaphore_mem>>)
        %dma_wait3A = tpu.memref_slice %arg2[%add3A_39] : memref<327680xi32, #tpu.memory_space<hbm>> -> memref<128xi32, #tpu.memory_space<hbm>>
        %dma_wait3A_43 = tpu.memref_slice %arg2[%add3A_39] : memref<327680xi32, #tpu.memory_space<hbm>> -> memref<128xi32, #tpu.memory_space<hbm>>
        tpu.wait_dma2 semaphore(%run_scoped3A_41 : memref<!tpu.dma_semaphore, #tpu.memory_space<semaphore_mem>>) src(%dma_wait3A_43 : memref<128xi32, #tpu.memory_space<hbm>>) dst(%arg5 : memref<128xi32, #tpu.memory_space<vmem>>)
        tpu.yield
      }) : () -> ()
      "tpu.region"() ({
        %run_scoped3A_41 = tpu.sem_alloc : memref<!tpu.dma_semaphore, #tpu.memory_space<semaphore_mem>>
        %dma_start3A = arith.constant 0 : i32
        %dma_start3A_42 = arith.constant 0 : i32
        %dma_start3A_43 = tpu.memref_slice %arg8[%dma_start3A, %dma_start3A_42] : memref<10240x16xf32, #tpu.memory_space<vmem_shared>> -> memref<10240x16xf32, #tpu.memory_space<vmem_shared>>
        tpu.enqueue_indirect_dma source(%arg6 : memref<128x16xf32, #tpu.memory_space<vmem>>) target(%dma_start3A_43 : memref<10240x16xf32, #tpu.memory_space<vmem_shared>>) offsets(%arg5 : memref<128xi32, #tpu.memory_space<vmem>>) semaphore(%run_scoped3A_41 : memref<!tpu.dma_semaphore, #tpu.memory_space<semaphore_mem>>) {add = true}
        %dma_wait3A = arith.constant 0 : i32
        %dma_wait3A_44 = arith.constant 0 : i32
        %dma_wait3A_45 = tpu.memref_slice %arg8[%dma_wait3A, %dma_wait3A_44] : memref<10240x16xf32, #tpu.memory_space<vmem_shared>> -> memref<10240x16xf32, #tpu.memory_space<vmem_shared>>
        tpu.wait_indirect_dma semaphore(%run_scoped3A_41 : memref<!tpu.dma_semaphore, #tpu.memory_space<semaphore_mem>>) src(%arg6 : memref<128x16xf32, #tpu.memory_space<vmem>>) dst(%dma_wait3A_45 : memref<10240x16xf32, #tpu.memory_space<vmem_shared>>)
        tpu.yield
      }) : () -> ()
      %scan3A_40 = arith.constant 0 : i32
      scf.yield %scan3A_40 : i32
    }
    %scan3A_29 = arith.constant 80 : i32
    %barrier3A_30 = arith.constant 0 : index
    tpu.barrier barrier_id(%barrier3A_30)
    %mul3A_31 = arith.constant 640 : i32
    %mul3A_32 = arith.muli %arg1, %mul3A_31 : i32
    %mul3A_33 = arith.constant 640 : i32
    %mul3A_34 = arith.muli %arg1, %mul3A_33 : i32
    "tpu.region"() ({
      %run_scoped3A_35 = tpu.sem_alloc : memref<!tpu.dma_semaphore, #tpu.memory_space<semaphore_mem>>
      %dma_start3A = arith.constant 0 : i32
      %dma_start3A_36 = tpu.memref_slice %arg4[%arg0, %mul3A_34, %dma_start3A] : memref<2x10240x16xf32, #tpu.memory_space<hbm>> -> memref<1x640x16xf32, #tpu.memory_space<hbm>>
      %dma_start3A_37 = tpu.memref_squeeze %dma_start3A_36 : memref<1x640x16xf32, #tpu.memory_space<hbm>> -> memref<640x16xf32, #tpu.memory_space<hbm>>
      %dma_start3A_38 = arith.constant 0 : i32
      %dma_start3A_39 = tpu.memref_slice %arg8[%mul3A_32, %dma_start3A_38] : memref<10240x16xf32, #tpu.memory_space<vmem_shared>> -> memref<640x16xf32, #tpu.memory_space<vmem_shared>>
      tpu.enqueue_dma source(%dma_start3A_39 : memref<640x16xf32, #tpu.memory_space<vmem_shared>>) target(%dma_start3A_37 : memref<640x16xf32, #tpu.memory_space<hbm>>) target_semaphore(%run_scoped3A_35 : memref<!tpu.dma_semaphore, #tpu.memory_space<semaphore_mem>>)
      %dma_wait3A = arith.constant 0 : i32
      %dma_wait3A_40 = tpu.memref_slice %arg4[%arg0, %mul3A_34, %dma_wait3A] : memref<2x10240x16xf32, #tpu.memory_space<hbm>> -> memref<1x640x16xf32, #tpu.memory_space<hbm>>
      %dma_wait3A_41 = tpu.memref_squeeze %dma_wait3A_40 : memref<1x640x16xf32, #tpu.memory_space<hbm>> -> memref<640x16xf32, #tpu.memory_space<hbm>>
      %dma_wait3A_42 = arith.constant 0 : i32
      %dma_wait3A_43 = tpu.memref_slice %arg8[%mul3A_32, %dma_wait3A_42] : memref<10240x16xf32, #tpu.memory_space<vmem_shared>> -> memref<640x16xf32, #tpu.memory_space<vmem_shared>>
      tpu.wait_dma2 semaphore(%run_scoped3A_35 : memref<!tpu.dma_semaphore, #tpu.memory_space<semaphore_mem>>) src(%dma_wait3A_43 : memref<640x16xf32, #tpu.memory_space<vmem_shared>>) dst(%dma_wait3A_41 : memref<640x16xf32, #tpu.memory_space<hbm>>)
      tpu.yield
    }) : () -> ()
    return
  }
}

#map = affine_map<(d0, d1) -> (0, 0)>
#map1 = affine_map<(d0, d1) -> (0)>
#map2 = affine_map<(d0, d1) -> (0, 0, 0)>
module attributes {stable_mosaic.version = 14 : i64} {
  func.func @k(%arg0: i32, %arg1: i32, %arg2: memref<10240x128xf32, #tpu.memory_space<hbm>>, %arg3: memref<327680xi32, #tpu.memory_space<hbm>>, %arg4: memref<327680xi32, #tpu.memory_space<hbm>>, %arg5: memref<128x128xf32, #tpu.memory_space<hbm>>, %arg6: memref<2x10240x128xf32, #tpu.memory_space<hbm>>, %arg7: memref<128xi32, #tpu.memory_space<vmem>>, %arg8: memref<128xi32, #tpu.memory_space<vmem>>, %arg9: memref<128x128xf32, #tpu.memory_space<vmem>>, %arg10: memref<10240x128xf32, #tpu.memory_space<vmem_shared>>, %arg11: memref<!tpu.dma_semaphore, #tpu.memory_space<semaphore_mem>>) attributes {dimension_semantics = [#tpu.dimension_semantics<core_parallel>, #tpu.dimension_semantics<subcore_parallel>], iteration_bounds = array<i64: 2, 16>, scalar_prefetch = 0 : i64, scratch_operands = 5 : i64, tpu.core_type = #tpu.core_type<sc_vector_subcore>, window_params = [{transform_indices = #map}, {transform_indices = #map1}, {transform_indices = #map1}, {transform_indices = #map}, {transform_indices = #map2}]} {
    %mul3A = arith.constant 2 : i32
    %mul3A_0 = arith.muli %arg1, %mul3A : i32
    %add3A = arith.addi %mul3A_0, %arg0 : i32
    "tpu.region"() ({
      %run_scoped3A = tpu.sem_alloc : memref<!tpu.dma_semaphore, #tpu.memory_space<semaphore_mem>>
      tpu.enqueue_dma source(%arg5 : memref<128x128xf32, #tpu.memory_space<hbm>>) target(%arg9 : memref<128x128xf32, #tpu.memory_space<vmem>>) target_semaphore(%run_scoped3A : memref<!tpu.dma_semaphore, #tpu.memory_space<semaphore_mem>>)
      tpu.wait_dma2 semaphore(%run_scoped3A : memref<!tpu.dma_semaphore, #tpu.memory_space<semaphore_mem>>) src(%arg5 : memref<128x128xf32, #tpu.memory_space<hbm>>) dst(%arg9 : memref<128x128xf32, #tpu.memory_space<vmem>>)
      tpu.yield
    }) : () -> ()
    %mul3A_1 = arith.constant 640 : i32
    %mul3A_2 = arith.muli %arg1, %mul3A_1 : i32
    %add3A_3 = arith.constant 0 : i32
    %add3A_4 = arith.addi %mul3A_2, %add3A_3 : i32
    "tpu.region"() ({
      %run_scoped3A = tpu.sem_alloc : memref<!tpu.dma_semaphore, #tpu.memory_space<semaphore_mem>>
      %dma_start3A = arith.constant 0 : i32
      %dma_start3A_34 = tpu.memref_slice %arg10[%add3A_4, %dma_start3A] : memref<10240x128xf32, #tpu.memory_space<vmem_shared>> -> memref<128x128xf32, #tpu.memory_space<vmem_shared>>
      %dma_start3A_35 = arith.constant 0 : i32
      %dma_start3A_36 = tpu.memref_slice %arg10[%add3A_4, %dma_start3A_35] : memref<10240x128xf32, #tpu.memory_space<vmem_shared>> -> memref<128x128xf32, #tpu.memory_space<vmem_shared>>
      tpu.enqueue_dma source(%arg9 : memref<128x128xf32, #tpu.memory_space<vmem>>) target(%dma_start3A_36 : memref<128x128xf32, #tpu.memory_space<vmem_shared>>) target_semaphore(%run_scoped3A : memref<!tpu.dma_semaphore, #tpu.memory_space<semaphore_mem>>)
      %dma_wait3A = arith.constant 0 : i32
      %dma_wait3A_37 = tpu.memref_slice %arg10[%add3A_4, %dma_wait3A] : memref<10240x128xf32, #tpu.memory_space<vmem_shared>> -> memref<128x128xf32, #tpu.memory_space<vmem_shared>>
      %dma_wait3A_38 = arith.constant 0 : i32
      %dma_wait3A_39 = tpu.memref_slice %arg10[%add3A_4, %dma_wait3A_38] : memref<10240x128xf32, #tpu.memory_space<vmem_shared>> -> memref<128x128xf32, #tpu.memory_space<vmem_shared>>
      tpu.wait_dma2 semaphore(%run_scoped3A : memref<!tpu.dma_semaphore, #tpu.memory_space<semaphore_mem>>) src(%arg9 : memref<128x128xf32, #tpu.memory_space<vmem>>) dst(%dma_wait3A_39 : memref<128x128xf32, #tpu.memory_space<vmem_shared>>)
      tpu.yield
    }) : () -> ()
    %mul3A_5 = arith.constant 640 : i32
    %mul3A_6 = arith.muli %arg1, %mul3A_5 : i32
    %add3A_7 = arith.constant 128 : i32
    %add3A_8 = arith.addi %mul3A_6, %add3A_7 : i32
    "tpu.region"() ({
      %run_scoped3A = tpu.sem_alloc : memref<!tpu.dma_semaphore, #tpu.memory_space<semaphore_mem>>
      %dma_start3A = arith.constant 0 : i32
      %dma_start3A_34 = tpu.memref_slice %arg10[%add3A_8, %dma_start3A] : memref<10240x128xf32, #tpu.memory_space<vmem_shared>> -> memref<128x128xf32, #tpu.memory_space<vmem_shared>>
      %dma_start3A_35 = arith.constant 0 : i32
      %dma_start3A_36 = tpu.memref_slice %arg10[%add3A_8, %dma_start3A_35] : memref<10240x128xf32, #tpu.memory_space<vmem_shared>> -> memref<128x128xf32, #tpu.memory_space<vmem_shared>>
      tpu.enqueue_dma source(%arg9 : memref<128x128xf32, #tpu.memory_space<vmem>>) target(%dma_start3A_36 : memref<128x128xf32, #tpu.memory_space<vmem_shared>>) target_semaphore(%run_scoped3A : memref<!tpu.dma_semaphore, #tpu.memory_space<semaphore_mem>>)
      %dma_wait3A = arith.constant 0 : i32
      %dma_wait3A_37 = tpu.memref_slice %arg10[%add3A_8, %dma_wait3A] : memref<10240x128xf32, #tpu.memory_space<vmem_shared>> -> memref<128x128xf32, #tpu.memory_space<vmem_shared>>
      %dma_wait3A_38 = arith.constant 0 : i32
      %dma_wait3A_39 = tpu.memref_slice %arg10[%add3A_8, %dma_wait3A_38] : memref<10240x128xf32, #tpu.memory_space<vmem_shared>> -> memref<128x128xf32, #tpu.memory_space<vmem_shared>>
      tpu.wait_dma2 semaphore(%run_scoped3A : memref<!tpu.dma_semaphore, #tpu.memory_space<semaphore_mem>>) src(%arg9 : memref<128x128xf32, #tpu.memory_space<vmem>>) dst(%dma_wait3A_39 : memref<128x128xf32, #tpu.memory_space<vmem_shared>>)
      tpu.yield
    }) : () -> ()
    %mul3A_9 = arith.constant 640 : i32
    %mul3A_10 = arith.muli %arg1, %mul3A_9 : i32
    %add3A_11 = arith.constant 256 : i32
    %add3A_12 = arith.addi %mul3A_10, %add3A_11 : i32
    "tpu.region"() ({
      %run_scoped3A = tpu.sem_alloc : memref<!tpu.dma_semaphore, #tpu.memory_space<semaphore_mem>>
      %dma_start3A = arith.constant 0 : i32
      %dma_start3A_34 = tpu.memref_slice %arg10[%add3A_12, %dma_start3A] : memref<10240x128xf32, #tpu.memory_space<vmem_shared>> -> memref<128x128xf32, #tpu.memory_space<vmem_shared>>
      %dma_start3A_35 = arith.constant 0 : i32
      %dma_start3A_36 = tpu.memref_slice %arg10[%add3A_12, %dma_start3A_35] : memref<10240x128xf32, #tpu.memory_space<vmem_shared>> -> memref<128x128xf32, #tpu.memory_space<vmem_shared>>
      tpu.enqueue_dma source(%arg9 : memref<128x128xf32, #tpu.memory_space<vmem>>) target(%dma_start3A_36 : memref<128x128xf32, #tpu.memory_space<vmem_shared>>) target_semaphore(%run_scoped3A : memref<!tpu.dma_semaphore, #tpu.memory_space<semaphore_mem>>)
      %dma_wait3A = arith.constant 0 : i32
      %dma_wait3A_37 = tpu.memref_slice %arg10[%add3A_12, %dma_wait3A] : memref<10240x128xf32, #tpu.memory_space<vmem_shared>> -> memref<128x128xf32, #tpu.memory_space<vmem_shared>>
      %dma_wait3A_38 = arith.constant 0 : i32
      %dma_wait3A_39 = tpu.memref_slice %arg10[%add3A_12, %dma_wait3A_38] : memref<10240x128xf32, #tpu.memory_space<vmem_shared>> -> memref<128x128xf32, #tpu.memory_space<vmem_shared>>
      tpu.wait_dma2 semaphore(%run_scoped3A : memref<!tpu.dma_semaphore, #tpu.memory_space<semaphore_mem>>) src(%arg9 : memref<128x128xf32, #tpu.memory_space<vmem>>) dst(%dma_wait3A_39 : memref<128x128xf32, #tpu.memory_space<vmem_shared>>)
      tpu.yield
    }) : () -> ()
    %mul3A_13 = arith.constant 640 : i32
    %mul3A_14 = arith.muli %arg1, %mul3A_13 : i32
    %add3A_15 = arith.constant 384 : i32
    %add3A_16 = arith.addi %mul3A_14, %add3A_15 : i32
    "tpu.region"() ({
      %run_scoped3A = tpu.sem_alloc : memref<!tpu.dma_semaphore, #tpu.memory_space<semaphore_mem>>
      %dma_start3A = arith.constant 0 : i32
      %dma_start3A_34 = tpu.memref_slice %arg10[%add3A_16, %dma_start3A] : memref<10240x128xf32, #tpu.memory_space<vmem_shared>> -> memref<128x128xf32, #tpu.memory_space<vmem_shared>>
      %dma_start3A_35 = arith.constant 0 : i32
      %dma_start3A_36 = tpu.memref_slice %arg10[%add3A_16, %dma_start3A_35] : memref<10240x128xf32, #tpu.memory_space<vmem_shared>> -> memref<128x128xf32, #tpu.memory_space<vmem_shared>>
      tpu.enqueue_dma source(%arg9 : memref<128x128xf32, #tpu.memory_space<vmem>>) target(%dma_start3A_36 : memref<128x128xf32, #tpu.memory_space<vmem_shared>>) target_semaphore(%run_scoped3A : memref<!tpu.dma_semaphore, #tpu.memory_space<semaphore_mem>>)
      %dma_wait3A = arith.constant 0 : i32
      %dma_wait3A_37 = tpu.memref_slice %arg10[%add3A_16, %dma_wait3A] : memref<10240x128xf32, #tpu.memory_space<vmem_shared>> -> memref<128x128xf32, #tpu.memory_space<vmem_shared>>
      %dma_wait3A_38 = arith.constant 0 : i32
      %dma_wait3A_39 = tpu.memref_slice %arg10[%add3A_16, %dma_wait3A_38] : memref<10240x128xf32, #tpu.memory_space<vmem_shared>> -> memref<128x128xf32, #tpu.memory_space<vmem_shared>>
      tpu.wait_dma2 semaphore(%run_scoped3A : memref<!tpu.dma_semaphore, #tpu.memory_space<semaphore_mem>>) src(%arg9 : memref<128x128xf32, #tpu.memory_space<vmem>>) dst(%dma_wait3A_39 : memref<128x128xf32, #tpu.memory_space<vmem_shared>>)
      tpu.yield
    }) : () -> ()
    %mul3A_17 = arith.constant 640 : i32
    %mul3A_18 = arith.muli %arg1, %mul3A_17 : i32
    %add3A_19 = arith.constant 512 : i32
    %add3A_20 = arith.addi %mul3A_18, %add3A_19 : i32
    "tpu.region"() ({
      %run_scoped3A = tpu.sem_alloc : memref<!tpu.dma_semaphore, #tpu.memory_space<semaphore_mem>>
      %dma_start3A = arith.constant 0 : i32
      %dma_start3A_34 = tpu.memref_slice %arg10[%add3A_20, %dma_start3A] : memref<10240x128xf32, #tpu.memory_space<vmem_shared>> -> memref<128x128xf32, #tpu.memory_space<vmem_shared>>
      %dma_start3A_35 = arith.constant 0 : i32
      %dma_start3A_36 = tpu.memref_slice %arg10[%add3A_20, %dma_start3A_35] : memref<10240x128xf32, #tpu.memory_space<vmem_shared>> -> memref<128x128xf32, #tpu.memory_space<vmem_shared>>
      tpu.enqueue_dma source(%arg9 : memref<128x128xf32, #tpu.memory_space<vmem>>) target(%dma_start3A_36 : memref<128x128xf32, #tpu.memory_space<vmem_shared>>) target_semaphore(%run_scoped3A : memref<!tpu.dma_semaphore, #tpu.memory_space<semaphore_mem>>)
      %dma_wait3A = arith.constant 0 : i32
      %dma_wait3A_37 = tpu.memref_slice %arg10[%add3A_20, %dma_wait3A] : memref<10240x128xf32, #tpu.memory_space<vmem_shared>> -> memref<128x128xf32, #tpu.memory_space<vmem_shared>>
      %dma_wait3A_38 = arith.constant 0 : i32
      %dma_wait3A_39 = tpu.memref_slice %arg10[%add3A_20, %dma_wait3A_38] : memref<10240x128xf32, #tpu.memory_space<vmem_shared>> -> memref<128x128xf32, #tpu.memory_space<vmem_shared>>
      tpu.wait_dma2 semaphore(%run_scoped3A : memref<!tpu.dma_semaphore, #tpu.memory_space<semaphore_mem>>) src(%arg9 : memref<128x128xf32, #tpu.memory_space<vmem>>) dst(%dma_wait3A_39 : memref<128x128xf32, #tpu.memory_space<vmem_shared>>)
      tpu.yield
    }) : () -> ()
    %barrier3A = arith.constant 0 : index
    tpu.barrier barrier_id(%barrier3A)
    %mul3A_21 = arith.constant 10240 : i32
    %mul3A_22 = arith.muli %add3A, %mul3A_21 : i32
    %scan3A = arith.constant 0 : i32
    %scan3A_23 = arith.constant 0 : i32
    %scan3A_24 = arith.constant 80 : i32
    %scan3A_25 = arith.addi %scan3A_23, %scan3A_24 : i32
    %scan3A_26 = arith.constant 1 : i32
    %scan3A_27 = scf.for %scan3A_34 = %scan3A_23 to %scan3A_25 step %scan3A_26 iter_args(%scan3A_35 = %scan3A) -> (i32)  : i32 {
      %mul3A_36 = arith.constant 128 : i32
      %mul3A_37 = arith.muli %scan3A_34, %mul3A_36 : i32
      %add3A_38 = arith.addi %mul3A_22, %mul3A_37 : i32
      "tpu.region"() ({
        %run_scoped3A = tpu.sem_alloc : memref<!tpu.dma_semaphore, #tpu.memory_space<semaphore_mem>>
        %dma_start3A_47 = tpu.memref_slice %arg3[%add3A_38] : memref<327680xi32, #tpu.memory_space<hbm>> -> memref<128xi32, #tpu.memory_space<hbm>>
        %dma_start3A_48 = tpu.memref_slice %arg3[%add3A_38] : memref<327680xi32, #tpu.memory_space<hbm>> -> memref<128xi32, #tpu.memory_space<hbm>>
        tpu.enqueue_dma source(%dma_start3A_48 : memref<128xi32, #tpu.memory_space<hbm>>) target(%arg7 : memref<128xi32, #tpu.memory_space<vmem>>) target_semaphore(%run_scoped3A : memref<!tpu.dma_semaphore, #tpu.memory_space<semaphore_mem>>)
        %dma_wait3A_49 = tpu.memref_slice %arg3[%add3A_38] : memref<327680xi32, #tpu.memory_space<hbm>> -> memref<128xi32, #tpu.memory_space<hbm>>
        %dma_wait3A_50 = tpu.memref_slice %arg3[%add3A_38] : memref<327680xi32, #tpu.memory_space<hbm>> -> memref<128xi32, #tpu.memory_space<hbm>>
        tpu.wait_dma2 semaphore(%run_scoped3A : memref<!tpu.dma_semaphore, #tpu.memory_space<semaphore_mem>>) src(%dma_wait3A_50 : memref<128xi32, #tpu.memory_space<hbm>>) dst(%arg7 : memref<128xi32, #tpu.memory_space<vmem>>)
        tpu.yield
      }) : () -> ()
      %mul3A_39 = arith.constant 128 : i32
      %mul3A_40 = arith.muli %scan3A_34, %mul3A_39 : i32
      %add3A_41 = arith.addi %mul3A_22, %mul3A_40 : i32
      "tpu.region"() ({
        %run_scoped3A = tpu.sem_alloc : memref<!tpu.dma_semaphore, #tpu.memory_space<semaphore_mem>>
        %dma_start3A_47 = tpu.memref_slice %arg4[%add3A_41] : memref<327680xi32, #tpu.memory_space<hbm>> -> memref<128xi32, #tpu.memory_space<hbm>>
        %dma_start3A_48 = tpu.memref_slice %arg4[%add3A_41] : memref<327680xi32, #tpu.memory_space<hbm>> -> memref<128xi32, #tpu.memory_space<hbm>>
        tpu.enqueue_dma source(%dma_start3A_48 : memref<128xi32, #tpu.memory_space<hbm>>) target(%arg8 : memref<128xi32, #tpu.memory_space<vmem>>) target_semaphore(%run_scoped3A : memref<!tpu.dma_semaphore, #tpu.memory_space<semaphore_mem>>)
        %dma_wait3A_49 = tpu.memref_slice %arg4[%add3A_41] : memref<327680xi32, #tpu.memory_space<hbm>> -> memref<128xi32, #tpu.memory_space<hbm>>
        %dma_wait3A_50 = tpu.memref_slice %arg4[%add3A_41] : memref<327680xi32, #tpu.memory_space<hbm>> -> memref<128xi32, #tpu.memory_space<hbm>>
        tpu.wait_dma2 semaphore(%run_scoped3A : memref<!tpu.dma_semaphore, #tpu.memory_space<semaphore_mem>>) src(%dma_wait3A_50 : memref<128xi32, #tpu.memory_space<hbm>>) dst(%arg8 : memref<128xi32, #tpu.memory_space<vmem>>)
        tpu.yield
      }) : () -> ()
      %dma_start3A = arith.constant 0 : i32
      %dma_start3A_42 = arith.constant 0 : i32
      %dma_start3A_43 = tpu.memref_slice %arg2[%dma_start3A, %dma_start3A_42] : memref<10240x128xf32, #tpu.memory_space<hbm>> -> memref<10240x128xf32, #tpu.memory_space<hbm>>
      tpu.enqueue_indirect_dma source(%dma_start3A_43 : memref<10240x128xf32, #tpu.memory_space<hbm>>) target(%arg9 : memref<128x128xf32, #tpu.memory_space<vmem>>) offsets(%arg7 : memref<128xi32, #tpu.memory_space<vmem>>) semaphore(%arg11 : memref<!tpu.dma_semaphore, #tpu.memory_space<semaphore_mem>>)
      %dma_wait3A = arith.constant 0 : i32
      %dma_wait3A_44 = arith.constant 0 : i32
      %dma_wait3A_45 = tpu.memref_slice %arg2[%dma_wait3A, %dma_wait3A_44] : memref<10240x128xf32, #tpu.memory_space<hbm>> -> memref<10240x128xf32, #tpu.memory_space<hbm>>
      tpu.wait_indirect_dma semaphore(%arg11 : memref<!tpu.dma_semaphore, #tpu.memory_space<semaphore_mem>>) src(%dma_wait3A_45 : memref<10240x128xf32, #tpu.memory_space<hbm>>) dst(%arg9 : memref<128x128xf32, #tpu.memory_space<vmem>>)
      "tpu.region"() ({
        %run_scoped3A = tpu.sem_alloc : memref<!tpu.dma_semaphore, #tpu.memory_space<semaphore_mem>>
        %dma_start3A_47 = arith.constant 0 : i32
        %dma_start3A_48 = arith.constant 0 : i32
        %dma_start3A_49 = tpu.memref_slice %arg10[%dma_start3A_47, %dma_start3A_48] : memref<10240x128xf32, #tpu.memory_space<vmem_shared>> -> memref<10240x128xf32, #tpu.memory_space<vmem_shared>>
        tpu.enqueue_indirect_dma source(%arg9 : memref<128x128xf32, #tpu.memory_space<vmem>>) target(%dma_start3A_49 : memref<10240x128xf32, #tpu.memory_space<vmem_shared>>) offsets(%arg8 : memref<128xi32, #tpu.memory_space<vmem>>) semaphore(%run_scoped3A : memref<!tpu.dma_semaphore, #tpu.memory_space<semaphore_mem>>) {add = true}
        %dma_wait3A_50 = arith.constant 0 : i32
        %dma_wait3A_51 = arith.constant 0 : i32
        %dma_wait3A_52 = tpu.memref_slice %arg10[%dma_wait3A_50, %dma_wait3A_51] : memref<10240x128xf32, #tpu.memory_space<vmem_shared>> -> memref<10240x128xf32, #tpu.memory_space<vmem_shared>>
        tpu.wait_indirect_dma semaphore(%run_scoped3A : memref<!tpu.dma_semaphore, #tpu.memory_space<semaphore_mem>>) src(%arg9 : memref<128x128xf32, #tpu.memory_space<vmem>>) dst(%dma_wait3A_52 : memref<10240x128xf32, #tpu.memory_space<vmem_shared>>)
        tpu.yield
      }) : () -> ()
      %scan3A_46 = arith.constant 0 : i32
      scf.yield %scan3A_46 : i32
    }
    %scan3A_28 = arith.constant 80 : i32
    %barrier3A_29 = arith.constant 0 : index
    tpu.barrier barrier_id(%barrier3A_29)
    %mul3A_30 = arith.constant 640 : i32
    %mul3A_31 = arith.muli %arg1, %mul3A_30 : i32
    %mul3A_32 = arith.constant 640 : i32
    %mul3A_33 = arith.muli %arg1, %mul3A_32 : i32
    "tpu.region"() ({
      %run_scoped3A = tpu.sem_alloc : memref<!tpu.dma_semaphore, #tpu.memory_space<semaphore_mem>>
      %dma_start3A = arith.constant 0 : i32
      %dma_start3A_34 = tpu.memref_slice %arg6[%arg0, %mul3A_33, %dma_start3A] : memref<2x10240x128xf32, #tpu.memory_space<hbm>> -> memref<1x640x128xf32, #tpu.memory_space<hbm>>
      %dma_start3A_35 = tpu.memref_squeeze %dma_start3A_34 : memref<1x640x128xf32, #tpu.memory_space<hbm>> -> memref<640x128xf32, #tpu.memory_space<hbm>>
      %dma_start3A_36 = arith.constant 0 : i32
      %dma_start3A_37 = tpu.memref_slice %arg10[%mul3A_31, %dma_start3A_36] : memref<10240x128xf32, #tpu.memory_space<vmem_shared>> -> memref<640x128xf32, #tpu.memory_space<vmem_shared>>
      tpu.enqueue_dma source(%dma_start3A_37 : memref<640x128xf32, #tpu.memory_space<vmem_shared>>) target(%dma_start3A_35 : memref<640x128xf32, #tpu.memory_space<hbm>>) target_semaphore(%run_scoped3A : memref<!tpu.dma_semaphore, #tpu.memory_space<semaphore_mem>>)
      %dma_wait3A = arith.constant 0 : i32
      %dma_wait3A_38 = tpu.memref_slice %arg6[%arg0, %mul3A_33, %dma_wait3A] : memref<2x10240x128xf32, #tpu.memory_space<hbm>> -> memref<1x640x128xf32, #tpu.memory_space<hbm>>
      %dma_wait3A_39 = tpu.memref_squeeze %dma_wait3A_38 : memref<1x640x128xf32, #tpu.memory_space<hbm>> -> memref<640x128xf32, #tpu.memory_space<hbm>>
      %dma_wait3A_40 = arith.constant 0 : i32
      %dma_wait3A_41 = tpu.memref_slice %arg10[%mul3A_31, %dma_wait3A_40] : memref<10240x128xf32, #tpu.memory_space<vmem_shared>> -> memref<640x128xf32, #tpu.memory_space<vmem_shared>>
      tpu.wait_dma2 semaphore(%run_scoped3A : memref<!tpu.dma_semaphore, #tpu.memory_space<semaphore_mem>>) src(%dma_wait3A_41 : memref<640x128xf32, #tpu.memory_space<vmem_shared>>) dst(%dma_wait3A_39 : memref<640x128xf32, #tpu.memory_space<hbm>>)
      tpu.yield
    }) : () -> ()
    return
  }
}

#map = affine_map<(d0, d1) -> (0, 0)>
#map1 = affine_map<(d0, d1) -> (0)>
#map2 = affine_map<(d0, d1) -> (0, 0, 0)>
module attributes {stable_mosaic.version = 14 : i64} {
  func.func @k(%arg0: i32, %arg1: i32, %arg2: memref<10240x128xf32, #tpu.memory_space<hbm>>, %arg3: memref<327680xi32, #tpu.memory_space<hbm>>, %arg4: memref<327680xi32, #tpu.memory_space<hbm>>, %arg5: memref<128x128xf32, #tpu.memory_space<hbm>>, %arg6: memref<2x10240x128xf32, #tpu.memory_space<hbm>>, %arg7: memref<128xi32, #tpu.memory_space<vmem>>, %arg8: memref<128xi32, #tpu.memory_space<vmem>>, %arg9: memref<128x128xf32, #tpu.memory_space<vmem>>, %arg10: memref<10240x128xf32, #tpu.memory_space<vmem_shared>>, %arg11: memref<!tpu.dma_semaphore, #tpu.memory_space<semaphore_mem>>) attributes {dimension_semantics = [#tpu.dimension_semantics<core_parallel>, #tpu.dimension_semantics<subcore_parallel>], iteration_bounds = array<i64: 2, 16>, scalar_prefetch = 0 : i64, scratch_operands = 5 : i64, tpu.core_type = #tpu.core_type<sc_vector_subcore>, window_params = [{transform_indices = #map}, {transform_indices = #map1}, {transform_indices = #map1}, {transform_indices = #map}, {transform_indices = #map2}]} {
    %mul3A = arith.constant 2 : i32
    %mul3A_0 = arith.muli %arg1, %mul3A : i32
    %add3A = arith.addi %mul3A_0, %arg0 : i32
    "tpu.region"() ({
      %run_scoped3A = tpu.sem_alloc : memref<!tpu.dma_semaphore, #tpu.memory_space<semaphore_mem>>
      tpu.enqueue_dma source(%arg5 : memref<128x128xf32, #tpu.memory_space<hbm>>) target(%arg9 : memref<128x128xf32, #tpu.memory_space<vmem>>) target_semaphore(%run_scoped3A : memref<!tpu.dma_semaphore, #tpu.memory_space<semaphore_mem>>)
      tpu.wait_dma2 semaphore(%run_scoped3A : memref<!tpu.dma_semaphore, #tpu.memory_space<semaphore_mem>>) src(%arg5 : memref<128x128xf32, #tpu.memory_space<hbm>>) dst(%arg9 : memref<128x128xf32, #tpu.memory_space<vmem>>)
      tpu.yield
    }) : () -> ()
    %mul3A_1 = arith.constant 640 : i32
    %mul3A_2 = arith.muli %arg1, %mul3A_1 : i32
    %add3A_3 = arith.constant 0 : i32
    %add3A_4 = arith.addi %mul3A_2, %add3A_3 : i32
    "tpu.region"() ({
      %run_scoped3A = tpu.sem_alloc : memref<!tpu.dma_semaphore, #tpu.memory_space<semaphore_mem>>
      %dma_start3A = arith.constant 0 : i32
      %dma_start3A_34 = tpu.memref_slice %arg10[%add3A_4, %dma_start3A] : memref<10240x128xf32, #tpu.memory_space<vmem_shared>> -> memref<128x128xf32, #tpu.memory_space<vmem_shared>>
      %dma_start3A_35 = arith.constant 0 : i32
      %dma_start3A_36 = tpu.memref_slice %arg10[%add3A_4, %dma_start3A_35] : memref<10240x128xf32, #tpu.memory_space<vmem_shared>> -> memref<128x128xf32, #tpu.memory_space<vmem_shared>>
      tpu.enqueue_dma source(%arg9 : memref<128x128xf32, #tpu.memory_space<vmem>>) target(%dma_start3A_36 : memref<128x128xf32, #tpu.memory_space<vmem_shared>>) target_semaphore(%run_scoped3A : memref<!tpu.dma_semaphore, #tpu.memory_space<semaphore_mem>>)
      %dma_wait3A = arith.constant 0 : i32
      %dma_wait3A_37 = tpu.memref_slice %arg10[%add3A_4, %dma_wait3A] : memref<10240x128xf32, #tpu.memory_space<vmem_shared>> -> memref<128x128xf32, #tpu.memory_space<vmem_shared>>
      %dma_wait3A_38 = arith.constant 0 : i32
      %dma_wait3A_39 = tpu.memref_slice %arg10[%add3A_4, %dma_wait3A_38] : memref<10240x128xf32, #tpu.memory_space<vmem_shared>> -> memref<128x128xf32, #tpu.memory_space<vmem_shared>>
      tpu.wait_dma2 semaphore(%run_scoped3A : memref<!tpu.dma_semaphore, #tpu.memory_space<semaphore_mem>>) src(%arg9 : memref<128x128xf32, #tpu.memory_space<vmem>>) dst(%dma_wait3A_39 : memref<128x128xf32, #tpu.memory_space<vmem_shared>>)
      tpu.yield
    }) : () -> ()
    %mul3A_5 = arith.constant 640 : i32
    %mul3A_6 = arith.muli %arg1, %mul3A_5 : i32
    %add3A_7 = arith.constant 128 : i32
    %add3A_8 = arith.addi %mul3A_6, %add3A_7 : i32
    "tpu.region"() ({
      %run_scoped3A = tpu.sem_alloc : memref<!tpu.dma_semaphore, #tpu.memory_space<semaphore_mem>>
      %dma_start3A = arith.constant 0 : i32
      %dma_start3A_34 = tpu.memref_slice %arg10[%add3A_8, %dma_start3A] : memref<10240x128xf32, #tpu.memory_space<vmem_shared>> -> memref<128x128xf32, #tpu.memory_space<vmem_shared>>
      %dma_start3A_35 = arith.constant 0 : i32
      %dma_start3A_36 = tpu.memref_slice %arg10[%add3A_8, %dma_start3A_35] : memref<10240x128xf32, #tpu.memory_space<vmem_shared>> -> memref<128x128xf32, #tpu.memory_space<vmem_shared>>
      tpu.enqueue_dma source(%arg9 : memref<128x128xf32, #tpu.memory_space<vmem>>) target(%dma_start3A_36 : memref<128x128xf32, #tpu.memory_space<vmem_shared>>) target_semaphore(%run_scoped3A : memref<!tpu.dma_semaphore, #tpu.memory_space<semaphore_mem>>)
      %dma_wait3A = arith.constant 0 : i32
      %dma_wait3A_37 = tpu.memref_slice %arg10[%add3A_8, %dma_wait3A] : memref<10240x128xf32, #tpu.memory_space<vmem_shared>> -> memref<128x128xf32, #tpu.memory_space<vmem_shared>>
      %dma_wait3A_38 = arith.constant 0 : i32
      %dma_wait3A_39 = tpu.memref_slice %arg10[%add3A_8, %dma_wait3A_38] : memref<10240x128xf32, #tpu.memory_space<vmem_shared>> -> memref<128x128xf32, #tpu.memory_space<vmem_shared>>
      tpu.wait_dma2 semaphore(%run_scoped3A : memref<!tpu.dma_semaphore, #tpu.memory_space<semaphore_mem>>) src(%arg9 : memref<128x128xf32, #tpu.memory_space<vmem>>) dst(%dma_wait3A_39 : memref<128x128xf32, #tpu.memory_space<vmem_shared>>)
      tpu.yield
    }) : () -> ()
    %mul3A_9 = arith.constant 640 : i32
    %mul3A_10 = arith.muli %arg1, %mul3A_9 : i32
    %add3A_11 = arith.constant 256 : i32
    %add3A_12 = arith.addi %mul3A_10, %add3A_11 : i32
    "tpu.region"() ({
      %run_scoped3A = tpu.sem_alloc : memref<!tpu.dma_semaphore, #tpu.memory_space<semaphore_mem>>
      %dma_start3A = arith.constant 0 : i32
      %dma_start3A_34 = tpu.memref_slice %arg10[%add3A_12, %dma_start3A] : memref<10240x128xf32, #tpu.memory_space<vmem_shared>> -> memref<128x128xf32, #tpu.memory_space<vmem_shared>>
      %dma_start3A_35 = arith.constant 0 : i32
      %dma_start3A_36 = tpu.memref_slice %arg10[%add3A_12, %dma_start3A_35] : memref<10240x128xf32, #tpu.memory_space<vmem_shared>> -> memref<128x128xf32, #tpu.memory_space<vmem_shared>>
      tpu.enqueue_dma source(%arg9 : memref<128x128xf32, #tpu.memory_space<vmem>>) target(%dma_start3A_36 : memref<128x128xf32, #tpu.memory_space<vmem_shared>>) target_semaphore(%run_scoped3A : memref<!tpu.dma_semaphore, #tpu.memory_space<semaphore_mem>>)
      %dma_wait3A = arith.constant 0 : i32
      %dma_wait3A_37 = tpu.memref_slice %arg10[%add3A_12, %dma_wait3A] : memref<10240x128xf32, #tpu.memory_space<vmem_shared>> -> memref<128x128xf32, #tpu.memory_space<vmem_shared>>
      %dma_wait3A_38 = arith.constant 0 : i32
      %dma_wait3A_39 = tpu.memref_slice %arg10[%add3A_12, %dma_wait3A_38] : memref<10240x128xf32, #tpu.memory_space<vmem_shared>> -> memref<128x128xf32, #tpu.memory_space<vmem_shared>>
      tpu.wait_dma2 semaphore(%run_scoped3A : memref<!tpu.dma_semaphore, #tpu.memory_space<semaphore_mem>>) src(%arg9 : memref<128x128xf32, #tpu.memory_space<vmem>>) dst(%dma_wait3A_39 : memref<128x128xf32, #tpu.memory_space<vmem_shared>>)
      tpu.yield
    }) : () -> ()
    %mul3A_13 = arith.constant 640 : i32
    %mul3A_14 = arith.muli %arg1, %mul3A_13 : i32
    %add3A_15 = arith.constant 384 : i32
    %add3A_16 = arith.addi %mul3A_14, %add3A_15 : i32
    "tpu.region"() ({
      %run_scoped3A = tpu.sem_alloc : memref<!tpu.dma_semaphore, #tpu.memory_space<semaphore_mem>>
      %dma_start3A = arith.constant 0 : i32
      %dma_start3A_34 = tpu.memref_slice %arg10[%add3A_16, %dma_start3A] : memref<10240x128xf32, #tpu.memory_space<vmem_shared>> -> memref<128x128xf32, #tpu.memory_space<vmem_shared>>
      %dma_start3A_35 = arith.constant 0 : i32
      %dma_start3A_36 = tpu.memref_slice %arg10[%add3A_16, %dma_start3A_35] : memref<10240x128xf32, #tpu.memory_space<vmem_shared>> -> memref<128x128xf32, #tpu.memory_space<vmem_shared>>
      tpu.enqueue_dma source(%arg9 : memref<128x128xf32, #tpu.memory_space<vmem>>) target(%dma_start3A_36 : memref<128x128xf32, #tpu.memory_space<vmem_shared>>) target_semaphore(%run_scoped3A : memref<!tpu.dma_semaphore, #tpu.memory_space<semaphore_mem>>)
      %dma_wait3A = arith.constant 0 : i32
      %dma_wait3A_37 = tpu.memref_slice %arg10[%add3A_16, %dma_wait3A] : memref<10240x128xf32, #tpu.memory_space<vmem_shared>> -> memref<128x128xf32, #tpu.memory_space<vmem_shared>>
      %dma_wait3A_38 = arith.constant 0 : i32
      %dma_wait3A_39 = tpu.memref_slice %arg10[%add3A_16, %dma_wait3A_38] : memref<10240x128xf32, #tpu.memory_space<vmem_shared>> -> memref<128x128xf32, #tpu.memory_space<vmem_shared>>
      tpu.wait_dma2 semaphore(%run_scoped3A : memref<!tpu.dma_semaphore, #tpu.memory_space<semaphore_mem>>) src(%arg9 : memref<128x128xf32, #tpu.memory_space<vmem>>) dst(%dma_wait3A_39 : memref<128x128xf32, #tpu.memory_space<vmem_shared>>)
      tpu.yield
    }) : () -> ()
    %mul3A_17 = arith.constant 640 : i32
    %mul3A_18 = arith.muli %arg1, %mul3A_17 : i32
    %add3A_19 = arith.constant 512 : i32
    %add3A_20 = arith.addi %mul3A_18, %add3A_19 : i32
    "tpu.region"() ({
      %run_scoped3A = tpu.sem_alloc : memref<!tpu.dma_semaphore, #tpu.memory_space<semaphore_mem>>
      %dma_start3A = arith.constant 0 : i32
      %dma_start3A_34 = tpu.memref_slice %arg10[%add3A_20, %dma_start3A] : memref<10240x128xf32, #tpu.memory_space<vmem_shared>> -> memref<128x128xf32, #tpu.memory_space<vmem_shared>>
      %dma_start3A_35 = arith.constant 0 : i32
      %dma_start3A_36 = tpu.memref_slice %arg10[%add3A_20, %dma_start3A_35] : memref<10240x128xf32, #tpu.memory_space<vmem_shared>> -> memref<128x128xf32, #tpu.memory_space<vmem_shared>>
      tpu.enqueue_dma source(%arg9 : memref<128x128xf32, #tpu.memory_space<vmem>>) target(%dma_start3A_36 : memref<128x128xf32, #tpu.memory_space<vmem_shared>>) target_semaphore(%run_scoped3A : memref<!tpu.dma_semaphore, #tpu.memory_space<semaphore_mem>>)
      %dma_wait3A = arith.constant 0 : i32
      %dma_wait3A_37 = tpu.memref_slice %arg10[%add3A_20, %dma_wait3A] : memref<10240x128xf32, #tpu.memory_space<vmem_shared>> -> memref<128x128xf32, #tpu.memory_space<vmem_shared>>
      %dma_wait3A_38 = arith.constant 0 : i32
      %dma_wait3A_39 = tpu.memref_slice %arg10[%add3A_20, %dma_wait3A_38] : memref<10240x128xf32, #tpu.memory_space<vmem_shared>> -> memref<128x128xf32, #tpu.memory_space<vmem_shared>>
      tpu.wait_dma2 semaphore(%run_scoped3A : memref<!tpu.dma_semaphore, #tpu.memory_space<semaphore_mem>>) src(%arg9 : memref<128x128xf32, #tpu.memory_space<vmem>>) dst(%dma_wait3A_39 : memref<128x128xf32, #tpu.memory_space<vmem_shared>>)
      tpu.yield
    }) : () -> ()
    %barrier3A = arith.constant 0 : index
    tpu.barrier barrier_id(%barrier3A)
    %mul3A_21 = arith.constant 10240 : i32
    %mul3A_22 = arith.muli %add3A, %mul3A_21 : i32
    %scan3A = arith.constant 0 : i32
    %scan3A_23 = arith.constant 0 : i32
    %scan3A_24 = arith.constant 80 : i32
    %scan3A_25 = arith.addi %scan3A_23, %scan3A_24 : i32
    %scan3A_26 = arith.constant 1 : i32
    %scan3A_27 = scf.for %scan3A_34 = %scan3A_23 to %scan3A_25 step %scan3A_26 iter_args(%scan3A_35 = %scan3A) -> (i32)  : i32 {
      %mul3A_36 = arith.constant 128 : i32
      %mul3A_37 = arith.muli %scan3A_34, %mul3A_36 : i32
      %add3A_38 = arith.addi %mul3A_22, %mul3A_37 : i32
      "tpu.region"() ({
        %run_scoped3A = tpu.sem_alloc : memref<!tpu.dma_semaphore, #tpu.memory_space<semaphore_mem>>
        %dma_start3A_47 = tpu.memref_slice %arg3[%add3A_38] : memref<327680xi32, #tpu.memory_space<hbm>> -> memref<128xi32, #tpu.memory_space<hbm>>
        %dma_start3A_48 = tpu.memref_slice %arg3[%add3A_38] : memref<327680xi32, #tpu.memory_space<hbm>> -> memref<128xi32, #tpu.memory_space<hbm>>
        tpu.enqueue_dma source(%dma_start3A_48 : memref<128xi32, #tpu.memory_space<hbm>>) target(%arg7 : memref<128xi32, #tpu.memory_space<vmem>>) target_semaphore(%run_scoped3A : memref<!tpu.dma_semaphore, #tpu.memory_space<semaphore_mem>>)
        %dma_wait3A_49 = tpu.memref_slice %arg3[%add3A_38] : memref<327680xi32, #tpu.memory_space<hbm>> -> memref<128xi32, #tpu.memory_space<hbm>>
        %dma_wait3A_50 = tpu.memref_slice %arg3[%add3A_38] : memref<327680xi32, #tpu.memory_space<hbm>> -> memref<128xi32, #tpu.memory_space<hbm>>
        tpu.wait_dma2 semaphore(%run_scoped3A : memref<!tpu.dma_semaphore, #tpu.memory_space<semaphore_mem>>) src(%dma_wait3A_50 : memref<128xi32, #tpu.memory_space<hbm>>) dst(%arg7 : memref<128xi32, #tpu.memory_space<vmem>>)
        tpu.yield
      }) : () -> ()
      %mul3A_39 = arith.constant 128 : i32
      %mul3A_40 = arith.muli %scan3A_34, %mul3A_39 : i32
      %add3A_41 = arith.addi %mul3A_22, %mul3A_40 : i32
      "tpu.region"() ({
        %run_scoped3A = tpu.sem_alloc : memref<!tpu.dma_semaphore, #tpu.memory_space<semaphore_mem>>
        %dma_start3A_47 = tpu.memref_slice %arg4[%add3A_41] : memref<327680xi32, #tpu.memory_space<hbm>> -> memref<128xi32, #tpu.memory_space<hbm>>
        %dma_start3A_48 = tpu.memref_slice %arg4[%add3A_41] : memref<327680xi32, #tpu.memory_space<hbm>> -> memref<128xi32, #tpu.memory_space<hbm>>
        tpu.enqueue_dma source(%dma_start3A_48 : memref<128xi32, #tpu.memory_space<hbm>>) target(%arg8 : memref<128xi32, #tpu.memory_space<vmem>>) target_semaphore(%run_scoped3A : memref<!tpu.dma_semaphore, #tpu.memory_space<semaphore_mem>>)
        %dma_wait3A_49 = tpu.memref_slice %arg4[%add3A_41] : memref<327680xi32, #tpu.memory_space<hbm>> -> memref<128xi32, #tpu.memory_space<hbm>>
        %dma_wait3A_50 = tpu.memref_slice %arg4[%add3A_41] : memref<327680xi32, #tpu.memory_space<hbm>> -> memref<128xi32, #tpu.memory_space<hbm>>
        tpu.wait_dma2 semaphore(%run_scoped3A : memref<!tpu.dma_semaphore, #tpu.memory_space<semaphore_mem>>) src(%dma_wait3A_50 : memref<128xi32, #tpu.memory_space<hbm>>) dst(%arg8 : memref<128xi32, #tpu.memory_space<vmem>>)
        tpu.yield
      }) : () -> ()
      %dma_start3A = arith.constant 0 : i32
      %dma_start3A_42 = arith.constant 0 : i32
      %dma_start3A_43 = tpu.memref_slice %arg2[%dma_start3A, %dma_start3A_42] : memref<10240x128xf32, #tpu.memory_space<hbm>> -> memref<10240x128xf32, #tpu.memory_space<hbm>>
      tpu.enqueue_indirect_dma source(%dma_start3A_43 : memref<10240x128xf32, #tpu.memory_space<hbm>>) target(%arg9 : memref<128x128xf32, #tpu.memory_space<vmem>>) offsets(%arg7 : memref<128xi32, #tpu.memory_space<vmem>>) semaphore(%arg11 : memref<!tpu.dma_semaphore, #tpu.memory_space<semaphore_mem>>)
      %dma_wait3A = arith.constant 0 : i32
      %dma_wait3A_44 = arith.constant 0 : i32
      %dma_wait3A_45 = tpu.memref_slice %arg2[%dma_wait3A, %dma_wait3A_44] : memref<10240x128xf32, #tpu.memory_space<hbm>> -> memref<10240x128xf32, #tpu.memory_space<hbm>>
      tpu.wait_indirect_dma semaphore(%arg11 : memref<!tpu.dma_semaphore, #tpu.memory_space<semaphore_mem>>) src(%dma_wait3A_45 : memref<10240x128xf32, #tpu.memory_space<hbm>>) dst(%arg9 : memref<128x128xf32, #tpu.memory_space<vmem>>)
      "tpu.region"() ({
        %run_scoped3A = tpu.sem_alloc : memref<!tpu.dma_semaphore, #tpu.memory_space<semaphore_mem>>
        %dma_start3A_47 = arith.constant 0 : i32
        %dma_start3A_48 = arith.constant 0 : i32
        %dma_start3A_49 = tpu.memref_slice %arg10[%dma_start3A_47, %dma_start3A_48] : memref<10240x128xf32, #tpu.memory_space<vmem_shared>> -> memref<10240x128xf32, #tpu.memory_space<vmem_shared>>
        tpu.enqueue_indirect_dma source(%arg9 : memref<128x128xf32, #tpu.memory_space<vmem>>) target(%dma_start3A_49 : memref<10240x128xf32, #tpu.memory_space<vmem_shared>>) offsets(%arg8 : memref<128xi32, #tpu.memory_space<vmem>>) semaphore(%run_scoped3A : memref<!tpu.dma_semaphore, #tpu.memory_space<semaphore_mem>>) {add = true}
        %dma_wait3A_50 = arith.constant 0 : i32
        %dma_wait3A_51 = arith.constant 0 : i32
        %dma_wait3A_52 = tpu.memref_slice %arg10[%dma_wait3A_50, %dma_wait3A_51] : memref<10240x128xf32, #tpu.memory_space<vmem_shared>> -> memref<10240x128xf32, #tpu.memory_space<vmem_shared>>
        tpu.wait_indirect_dma semaphore(%run_scoped3A : memref<!tpu.dma_semaphore, #tpu.memory_space<semaphore_mem>>) src(%arg9 : memref<128x128xf32, #tpu.memory_space<vmem>>) dst(%dma_wait3A_52 : memref<10240x128xf32, #tpu.memory_space<vmem_shared>>)
        tpu.yield
      }) : () -> ()
      %scan3A_46 = arith.constant 0 : i32
      scf.yield %scan3A_46 : i32
    }
    %scan3A_28 = arith.constant 80 : i32
    %barrier3A_29 = arith.constant 0 : index
    tpu.barrier barrier_id(%barrier3A_29)
    %mul3A_30 = arith.constant 640 : i32
    %mul3A_31 = arith.muli %arg1, %mul3A_30 : i32
    %mul3A_32 = arith.constant 640 : i32
    %mul3A_33 = arith.muli %arg1, %mul3A_32 : i32
    "tpu.region"() ({
      %run_scoped3A = tpu.sem_alloc : memref<!tpu.dma_semaphore, #tpu.memory_space<semaphore_mem>>
      %dma_start3A = arith.constant 0 : i32
      %dma_start3A_34 = tpu.memref_slice %arg6[%arg0, %mul3A_33, %dma_start3A] : memref<2x10240x128xf32, #tpu.memory_space<hbm>> -> memref<1x640x128xf32, #tpu.memory_space<hbm>>
      %dma_start3A_35 = tpu.memref_squeeze %dma_start3A_34 : memref<1x640x128xf32, #tpu.memory_space<hbm>> -> memref<640x128xf32, #tpu.memory_space<hbm>>
      %dma_start3A_36 = arith.constant 0 : i32
      %dma_start3A_37 = tpu.memref_slice %arg10[%mul3A_31, %dma_start3A_36] : memref<10240x128xf32, #tpu.memory_space<vmem_shared>> -> memref<640x128xf32, #tpu.memory_space<vmem_shared>>
      tpu.enqueue_dma source(%dma_start3A_37 : memref<640x128xf32, #tpu.memory_space<vmem_shared>>) target(%dma_start3A_35 : memref<640x128xf32, #tpu.memory_space<hbm>>) target_semaphore(%run_scoped3A : memref<!tpu.dma_semaphore, #tpu.memory_space<semaphore_mem>>)
      %dma_wait3A = arith.constant 0 : i32
      %dma_wait3A_38 = tpu.memref_slice %arg6[%arg0, %mul3A_33, %dma_wait3A] : memref<2x10240x128xf32, #tpu.memory_space<hbm>> -> memref<1x640x128xf32, #tpu.memory_space<hbm>>
      %dma_wait3A_39 = tpu.memref_squeeze %dma_wait3A_38 : memref<1x640x128xf32, #tpu.memory_space<hbm>> -> memref<640x128xf32, #tpu.memory_space<hbm>>
      %dma_wait3A_40 = arith.constant 0 : i32
      %dma_wait3A_41 = tpu.memref_slice %arg10[%mul3A_31, %dma_wait3A_40] : memref<10240x128xf32, #tpu.memory_space<vmem_shared>> -> memref<640x128xf32, #tpu.memory_space<vmem_shared>>
      tpu.wait_dma2 semaphore(%run_scoped3A : memref<!tpu.dma_semaphore, #tpu.memory_space<semaphore_mem>>) src(%dma_wait3A_41 : memref<640x128xf32, #tpu.memory_space<vmem_shared>>) dst(%dma_wait3A_39 : memref<640x128xf32, #tpu.memory_space<hbm>>)
      tpu.yield
    }) : () -> ()
    return
  }
}

#map = affine_map<(d0, d1) -> (0, 0)>
#map1 = affine_map<(d0, d1) -> (0)>
#map2 = affine_map<(d0, d1) -> (0, 0, 0)>
module attributes {stable_mosaic.version = 14 : i64} {
  func.func @k(%arg0: i32, %arg1: i32, %arg2: memref<10240x128xf32, #tpu.memory_space<hbm>>, %arg3: memref<327680xi32, #tpu.memory_space<hbm>>, %arg4: memref<327680xi32, #tpu.memory_space<hbm>>, %arg5: memref<128x128xf32, #tpu.memory_space<hbm>>, %arg6: memref<2x10240x128xf32, #tpu.memory_space<hbm>>, %arg7: memref<128xi32, #tpu.memory_space<vmem>>, %arg8: memref<128xi32, #tpu.memory_space<vmem>>, %arg9: memref<128x128xf32, #tpu.memory_space<vmem>>, %arg10: memref<10240x128xf32, #tpu.memory_space<vmem_shared>>, %arg11: memref<!tpu.dma_semaphore, #tpu.memory_space<semaphore_mem>>) attributes {dimension_semantics = [#tpu.dimension_semantics<core_parallel>, #tpu.dimension_semantics<subcore_parallel>], iteration_bounds = array<i64: 2, 16>, scalar_prefetch = 0 : i64, scratch_operands = 5 : i64, tpu.core_type = #tpu.core_type<sc_vector_subcore>, window_params = [{transform_indices = #map}, {transform_indices = #map1}, {transform_indices = #map1}, {transform_indices = #map}, {transform_indices = #map2}]} {
    %mul3A = arith.constant 2 : i32
    %mul3A_0 = arith.muli %arg1, %mul3A : i32
    %add3A = arith.addi %mul3A_0, %arg0 : i32
    "tpu.region"() ({
      %run_scoped3A = tpu.sem_alloc : memref<!tpu.dma_semaphore, #tpu.memory_space<semaphore_mem>>
      tpu.enqueue_dma source(%arg5 : memref<128x128xf32, #tpu.memory_space<hbm>>) target(%arg9 : memref<128x128xf32, #tpu.memory_space<vmem>>) target_semaphore(%run_scoped3A : memref<!tpu.dma_semaphore, #tpu.memory_space<semaphore_mem>>)
      tpu.wait_dma2 semaphore(%run_scoped3A : memref<!tpu.dma_semaphore, #tpu.memory_space<semaphore_mem>>) src(%arg5 : memref<128x128xf32, #tpu.memory_space<hbm>>) dst(%arg9 : memref<128x128xf32, #tpu.memory_space<vmem>>)
      tpu.yield
    }) : () -> ()
    %mul3A_1 = arith.constant 640 : i32
    %mul3A_2 = arith.muli %arg1, %mul3A_1 : i32
    %add3A_3 = arith.constant 0 : i32
    %add3A_4 = arith.addi %mul3A_2, %add3A_3 : i32
    "tpu.region"() ({
      %run_scoped3A = tpu.sem_alloc : memref<!tpu.dma_semaphore, #tpu.memory_space<semaphore_mem>>
      %dma_start3A = arith.constant 0 : i32
      %dma_start3A_34 = tpu.memref_slice %arg10[%add3A_4, %dma_start3A] : memref<10240x128xf32, #tpu.memory_space<vmem_shared>> -> memref<128x128xf32, #tpu.memory_space<vmem_shared>>
      %dma_start3A_35 = arith.constant 0 : i32
      %dma_start3A_36 = tpu.memref_slice %arg10[%add3A_4, %dma_start3A_35] : memref<10240x128xf32, #tpu.memory_space<vmem_shared>> -> memref<128x128xf32, #tpu.memory_space<vmem_shared>>
      tpu.enqueue_dma source(%arg9 : memref<128x128xf32, #tpu.memory_space<vmem>>) target(%dma_start3A_36 : memref<128x128xf32, #tpu.memory_space<vmem_shared>>) target_semaphore(%run_scoped3A : memref<!tpu.dma_semaphore, #tpu.memory_space<semaphore_mem>>)
      %dma_wait3A = arith.constant 0 : i32
      %dma_wait3A_37 = tpu.memref_slice %arg10[%add3A_4, %dma_wait3A] : memref<10240x128xf32, #tpu.memory_space<vmem_shared>> -> memref<128x128xf32, #tpu.memory_space<vmem_shared>>
      %dma_wait3A_38 = arith.constant 0 : i32
      %dma_wait3A_39 = tpu.memref_slice %arg10[%add3A_4, %dma_wait3A_38] : memref<10240x128xf32, #tpu.memory_space<vmem_shared>> -> memref<128x128xf32, #tpu.memory_space<vmem_shared>>
      tpu.wait_dma2 semaphore(%run_scoped3A : memref<!tpu.dma_semaphore, #tpu.memory_space<semaphore_mem>>) src(%arg9 : memref<128x128xf32, #tpu.memory_space<vmem>>) dst(%dma_wait3A_39 : memref<128x128xf32, #tpu.memory_space<vmem_shared>>)
      tpu.yield
    }) : () -> ()
    %mul3A_5 = arith.constant 640 : i32
    %mul3A_6 = arith.muli %arg1, %mul3A_5 : i32
    %add3A_7 = arith.constant 128 : i32
    %add3A_8 = arith.addi %mul3A_6, %add3A_7 : i32
    "tpu.region"() ({
      %run_scoped3A = tpu.sem_alloc : memref<!tpu.dma_semaphore, #tpu.memory_space<semaphore_mem>>
      %dma_start3A = arith.constant 0 : i32
      %dma_start3A_34 = tpu.memref_slice %arg10[%add3A_8, %dma_start3A] : memref<10240x128xf32, #tpu.memory_space<vmem_shared>> -> memref<128x128xf32, #tpu.memory_space<vmem_shared>>
      %dma_start3A_35 = arith.constant 0 : i32
      %dma_start3A_36 = tpu.memref_slice %arg10[%add3A_8, %dma_start3A_35] : memref<10240x128xf32, #tpu.memory_space<vmem_shared>> -> memref<128x128xf32, #tpu.memory_space<vmem_shared>>
      tpu.enqueue_dma source(%arg9 : memref<128x128xf32, #tpu.memory_space<vmem>>) target(%dma_start3A_36 : memref<128x128xf32, #tpu.memory_space<vmem_shared>>) target_semaphore(%run_scoped3A : memref<!tpu.dma_semaphore, #tpu.memory_space<semaphore_mem>>)
      %dma_wait3A = arith.constant 0 : i32
      %dma_wait3A_37 = tpu.memref_slice %arg10[%add3A_8, %dma_wait3A] : memref<10240x128xf32, #tpu.memory_space<vmem_shared>> -> memref<128x128xf32, #tpu.memory_space<vmem_shared>>
      %dma_wait3A_38 = arith.constant 0 : i32
      %dma_wait3A_39 = tpu.memref_slice %arg10[%add3A_8, %dma_wait3A_38] : memref<10240x128xf32, #tpu.memory_space<vmem_shared>> -> memref<128x128xf32, #tpu.memory_space<vmem_shared>>
      tpu.wait_dma2 semaphore(%run_scoped3A : memref<!tpu.dma_semaphore, #tpu.memory_space<semaphore_mem>>) src(%arg9 : memref<128x128xf32, #tpu.memory_space<vmem>>) dst(%dma_wait3A_39 : memref<128x128xf32, #tpu.memory_space<vmem_shared>>)
      tpu.yield
    }) : () -> ()
    %mul3A_9 = arith.constant 640 : i32
    %mul3A_10 = arith.muli %arg1, %mul3A_9 : i32
    %add3A_11 = arith.constant 256 : i32
    %add3A_12 = arith.addi %mul3A_10, %add3A_11 : i32
    "tpu.region"() ({
      %run_scoped3A = tpu.sem_alloc : memref<!tpu.dma_semaphore, #tpu.memory_space<semaphore_mem>>
      %dma_start3A = arith.constant 0 : i32
      %dma_start3A_34 = tpu.memref_slice %arg10[%add3A_12, %dma_start3A] : memref<10240x128xf32, #tpu.memory_space<vmem_shared>> -> memref<128x128xf32, #tpu.memory_space<vmem_shared>>
      %dma_start3A_35 = arith.constant 0 : i32
      %dma_start3A_36 = tpu.memref_slice %arg10[%add3A_12, %dma_start3A_35] : memref<10240x128xf32, #tpu.memory_space<vmem_shared>> -> memref<128x128xf32, #tpu.memory_space<vmem_shared>>
      tpu.enqueue_dma source(%arg9 : memref<128x128xf32, #tpu.memory_space<vmem>>) target(%dma_start3A_36 : memref<128x128xf32, #tpu.memory_space<vmem_shared>>) target_semaphore(%run_scoped3A : memref<!tpu.dma_semaphore, #tpu.memory_space<semaphore_mem>>)
      %dma_wait3A = arith.constant 0 : i32
      %dma_wait3A_37 = tpu.memref_slice %arg10[%add3A_12, %dma_wait3A] : memref<10240x128xf32, #tpu.memory_space<vmem_shared>> -> memref<128x128xf32, #tpu.memory_space<vmem_shared>>
      %dma_wait3A_38 = arith.constant 0 : i32
      %dma_wait3A_39 = tpu.memref_slice %arg10[%add3A_12, %dma_wait3A_38] : memref<10240x128xf32, #tpu.memory_space<vmem_shared>> -> memref<128x128xf32, #tpu.memory_space<vmem_shared>>
      tpu.wait_dma2 semaphore(%run_scoped3A : memref<!tpu.dma_semaphore, #tpu.memory_space<semaphore_mem>>) src(%arg9 : memref<128x128xf32, #tpu.memory_space<vmem>>) dst(%dma_wait3A_39 : memref<128x128xf32, #tpu.memory_space<vmem_shared>>)
      tpu.yield
    }) : () -> ()
    %mul3A_13 = arith.constant 640 : i32
    %mul3A_14 = arith.muli %arg1, %mul3A_13 : i32
    %add3A_15 = arith.constant 384 : i32
    %add3A_16 = arith.addi %mul3A_14, %add3A_15 : i32
    "tpu.region"() ({
      %run_scoped3A = tpu.sem_alloc : memref<!tpu.dma_semaphore, #tpu.memory_space<semaphore_mem>>
      %dma_start3A = arith.constant 0 : i32
      %dma_start3A_34 = tpu.memref_slice %arg10[%add3A_16, %dma_start3A] : memref<10240x128xf32, #tpu.memory_space<vmem_shared>> -> memref<128x128xf32, #tpu.memory_space<vmem_shared>>
      %dma_start3A_35 = arith.constant 0 : i32
      %dma_start3A_36 = tpu.memref_slice %arg10[%add3A_16, %dma_start3A_35] : memref<10240x128xf32, #tpu.memory_space<vmem_shared>> -> memref<128x128xf32, #tpu.memory_space<vmem_shared>>
      tpu.enqueue_dma source(%arg9 : memref<128x128xf32, #tpu.memory_space<vmem>>) target(%dma_start3A_36 : memref<128x128xf32, #tpu.memory_space<vmem_shared>>) target_semaphore(%run_scoped3A : memref<!tpu.dma_semaphore, #tpu.memory_space<semaphore_mem>>)
      %dma_wait3A = arith.constant 0 : i32
      %dma_wait3A_37 = tpu.memref_slice %arg10[%add3A_16, %dma_wait3A] : memref<10240x128xf32, #tpu.memory_space<vmem_shared>> -> memref<128x128xf32, #tpu.memory_space<vmem_shared>>
      %dma_wait3A_38 = arith.constant 0 : i32
      %dma_wait3A_39 = tpu.memref_slice %arg10[%add3A_16, %dma_wait3A_38] : memref<10240x128xf32, #tpu.memory_space<vmem_shared>> -> memref<128x128xf32, #tpu.memory_space<vmem_shared>>
      tpu.wait_dma2 semaphore(%run_scoped3A : memref<!tpu.dma_semaphore, #tpu.memory_space<semaphore_mem>>) src(%arg9 : memref<128x128xf32, #tpu.memory_space<vmem>>) dst(%dma_wait3A_39 : memref<128x128xf32, #tpu.memory_space<vmem_shared>>)
      tpu.yield
    }) : () -> ()
    %mul3A_17 = arith.constant 640 : i32
    %mul3A_18 = arith.muli %arg1, %mul3A_17 : i32
    %add3A_19 = arith.constant 512 : i32
    %add3A_20 = arith.addi %mul3A_18, %add3A_19 : i32
    "tpu.region"() ({
      %run_scoped3A = tpu.sem_alloc : memref<!tpu.dma_semaphore, #tpu.memory_space<semaphore_mem>>
      %dma_start3A = arith.constant 0 : i32
      %dma_start3A_34 = tpu.memref_slice %arg10[%add3A_20, %dma_start3A] : memref<10240x128xf32, #tpu.memory_space<vmem_shared>> -> memref<128x128xf32, #tpu.memory_space<vmem_shared>>
      %dma_start3A_35 = arith.constant 0 : i32
      %dma_start3A_36 = tpu.memref_slice %arg10[%add3A_20, %dma_start3A_35] : memref<10240x128xf32, #tpu.memory_space<vmem_shared>> -> memref<128x128xf32, #tpu.memory_space<vmem_shared>>
      tpu.enqueue_dma source(%arg9 : memref<128x128xf32, #tpu.memory_space<vmem>>) target(%dma_start3A_36 : memref<128x128xf32, #tpu.memory_space<vmem_shared>>) target_semaphore(%run_scoped3A : memref<!tpu.dma_semaphore, #tpu.memory_space<semaphore_mem>>)
      %dma_wait3A = arith.constant 0 : i32
      %dma_wait3A_37 = tpu.memref_slice %arg10[%add3A_20, %dma_wait3A] : memref<10240x128xf32, #tpu.memory_space<vmem_shared>> -> memref<128x128xf32, #tpu.memory_space<vmem_shared>>
      %dma_wait3A_38 = arith.constant 0 : i32
      %dma_wait3A_39 = tpu.memref_slice %arg10[%add3A_20, %dma_wait3A_38] : memref<10240x128xf32, #tpu.memory_space<vmem_shared>> -> memref<128x128xf32, #tpu.memory_space<vmem_shared>>
      tpu.wait_dma2 semaphore(%run_scoped3A : memref<!tpu.dma_semaphore, #tpu.memory_space<semaphore_mem>>) src(%arg9 : memref<128x128xf32, #tpu.memory_space<vmem>>) dst(%dma_wait3A_39 : memref<128x128xf32, #tpu.memory_space<vmem_shared>>)
      tpu.yield
    }) : () -> ()
    %barrier3A = arith.constant 0 : index
    tpu.barrier barrier_id(%barrier3A)
    %mul3A_21 = arith.constant 10240 : i32
    %mul3A_22 = arith.muli %add3A, %mul3A_21 : i32
    %scan3A = arith.constant 0 : i32
    %scan3A_23 = arith.constant 0 : i32
    %scan3A_24 = arith.constant 80 : i32
    %scan3A_25 = arith.addi %scan3A_23, %scan3A_24 : i32
    %scan3A_26 = arith.constant 1 : i32
    %scan3A_27 = scf.for %scan3A_34 = %scan3A_23 to %scan3A_25 step %scan3A_26 iter_args(%scan3A_35 = %scan3A) -> (i32)  : i32 {
      %mul3A_36 = arith.constant 128 : i32
      %mul3A_37 = arith.muli %scan3A_34, %mul3A_36 : i32
      %add3A_38 = arith.addi %mul3A_22, %mul3A_37 : i32
      "tpu.region"() ({
        %run_scoped3A = tpu.sem_alloc : memref<!tpu.dma_semaphore, #tpu.memory_space<semaphore_mem>>
        %dma_start3A_47 = tpu.memref_slice %arg3[%add3A_38] : memref<327680xi32, #tpu.memory_space<hbm>> -> memref<128xi32, #tpu.memory_space<hbm>>
        %dma_start3A_48 = tpu.memref_slice %arg3[%add3A_38] : memref<327680xi32, #tpu.memory_space<hbm>> -> memref<128xi32, #tpu.memory_space<hbm>>
        tpu.enqueue_dma source(%dma_start3A_48 : memref<128xi32, #tpu.memory_space<hbm>>) target(%arg7 : memref<128xi32, #tpu.memory_space<vmem>>) target_semaphore(%run_scoped3A : memref<!tpu.dma_semaphore, #tpu.memory_space<semaphore_mem>>)
        %dma_wait3A_49 = tpu.memref_slice %arg3[%add3A_38] : memref<327680xi32, #tpu.memory_space<hbm>> -> memref<128xi32, #tpu.memory_space<hbm>>
        %dma_wait3A_50 = tpu.memref_slice %arg3[%add3A_38] : memref<327680xi32, #tpu.memory_space<hbm>> -> memref<128xi32, #tpu.memory_space<hbm>>
        tpu.wait_dma2 semaphore(%run_scoped3A : memref<!tpu.dma_semaphore, #tpu.memory_space<semaphore_mem>>) src(%dma_wait3A_50 : memref<128xi32, #tpu.memory_space<hbm>>) dst(%arg7 : memref<128xi32, #tpu.memory_space<vmem>>)
        tpu.yield
      }) : () -> ()
      %mul3A_39 = arith.constant 128 : i32
      %mul3A_40 = arith.muli %scan3A_34, %mul3A_39 : i32
      %add3A_41 = arith.addi %mul3A_22, %mul3A_40 : i32
      "tpu.region"() ({
        %run_scoped3A = tpu.sem_alloc : memref<!tpu.dma_semaphore, #tpu.memory_space<semaphore_mem>>
        %dma_start3A_47 = tpu.memref_slice %arg4[%add3A_41] : memref<327680xi32, #tpu.memory_space<hbm>> -> memref<128xi32, #tpu.memory_space<hbm>>
        %dma_start3A_48 = tpu.memref_slice %arg4[%add3A_41] : memref<327680xi32, #tpu.memory_space<hbm>> -> memref<128xi32, #tpu.memory_space<hbm>>
        tpu.enqueue_dma source(%dma_start3A_48 : memref<128xi32, #tpu.memory_space<hbm>>) target(%arg8 : memref<128xi32, #tpu.memory_space<vmem>>) target_semaphore(%run_scoped3A : memref<!tpu.dma_semaphore, #tpu.memory_space<semaphore_mem>>)
        %dma_wait3A_49 = tpu.memref_slice %arg4[%add3A_41] : memref<327680xi32, #tpu.memory_space<hbm>> -> memref<128xi32, #tpu.memory_space<hbm>>
        %dma_wait3A_50 = tpu.memref_slice %arg4[%add3A_41] : memref<327680xi32, #tpu.memory_space<hbm>> -> memref<128xi32, #tpu.memory_space<hbm>>
        tpu.wait_dma2 semaphore(%run_scoped3A : memref<!tpu.dma_semaphore, #tpu.memory_space<semaphore_mem>>) src(%dma_wait3A_50 : memref<128xi32, #tpu.memory_space<hbm>>) dst(%arg8 : memref<128xi32, #tpu.memory_space<vmem>>)
        tpu.yield
      }) : () -> ()
      %dma_start3A = arith.constant 0 : i32
      %dma_start3A_42 = arith.constant 0 : i32
      %dma_start3A_43 = tpu.memref_slice %arg2[%dma_start3A, %dma_start3A_42] : memref<10240x128xf32, #tpu.memory_space<hbm>> -> memref<10240x128xf32, #tpu.memory_space<hbm>>
      tpu.enqueue_indirect_dma source(%dma_start3A_43 : memref<10240x128xf32, #tpu.memory_space<hbm>>) target(%arg9 : memref<128x128xf32, #tpu.memory_space<vmem>>) offsets(%arg7 : memref<128xi32, #tpu.memory_space<vmem>>) semaphore(%arg11 : memref<!tpu.dma_semaphore, #tpu.memory_space<semaphore_mem>>)
      %dma_wait3A = arith.constant 0 : i32
      %dma_wait3A_44 = arith.constant 0 : i32
      %dma_wait3A_45 = tpu.memref_slice %arg2[%dma_wait3A, %dma_wait3A_44] : memref<10240x128xf32, #tpu.memory_space<hbm>> -> memref<10240x128xf32, #tpu.memory_space<hbm>>
      tpu.wait_indirect_dma semaphore(%arg11 : memref<!tpu.dma_semaphore, #tpu.memory_space<semaphore_mem>>) src(%dma_wait3A_45 : memref<10240x128xf32, #tpu.memory_space<hbm>>) dst(%arg9 : memref<128x128xf32, #tpu.memory_space<vmem>>)
      "tpu.region"() ({
        %run_scoped3A = tpu.sem_alloc : memref<!tpu.dma_semaphore, #tpu.memory_space<semaphore_mem>>
        %dma_start3A_47 = arith.constant 0 : i32
        %dma_start3A_48 = arith.constant 0 : i32
        %dma_start3A_49 = tpu.memref_slice %arg10[%dma_start3A_47, %dma_start3A_48] : memref<10240x128xf32, #tpu.memory_space<vmem_shared>> -> memref<10240x128xf32, #tpu.memory_space<vmem_shared>>
        tpu.enqueue_indirect_dma source(%arg9 : memref<128x128xf32, #tpu.memory_space<vmem>>) target(%dma_start3A_49 : memref<10240x128xf32, #tpu.memory_space<vmem_shared>>) offsets(%arg8 : memref<128xi32, #tpu.memory_space<vmem>>) semaphore(%run_scoped3A : memref<!tpu.dma_semaphore, #tpu.memory_space<semaphore_mem>>) {add = true}
        %dma_wait3A_50 = arith.constant 0 : i32
        %dma_wait3A_51 = arith.constant 0 : i32
        %dma_wait3A_52 = tpu.memref_slice %arg10[%dma_wait3A_50, %dma_wait3A_51] : memref<10240x128xf32, #tpu.memory_space<vmem_shared>> -> memref<10240x128xf32, #tpu.memory_space<vmem_shared>>
        tpu.wait_indirect_dma semaphore(%run_scoped3A : memref<!tpu.dma_semaphore, #tpu.memory_space<semaphore_mem>>) src(%arg9 : memref<128x128xf32, #tpu.memory_space<vmem>>) dst(%dma_wait3A_52 : memref<10240x128xf32, #tpu.memory_space<vmem_shared>>)
        tpu.yield
      }) : () -> ()
      %scan3A_46 = arith.constant 0 : i32
      scf.yield %scan3A_46 : i32
    }
    %scan3A_28 = arith.constant 80 : i32
    %barrier3A_29 = arith.constant 0 : index
    tpu.barrier barrier_id(%barrier3A_29)
    %mul3A_30 = arith.constant 640 : i32
    %mul3A_31 = arith.muli %arg1, %mul3A_30 : i32
    %mul3A_32 = arith.constant 640 : i32
    %mul3A_33 = arith.muli %arg1, %mul3A_32 : i32
    "tpu.region"() ({
      %run_scoped3A = tpu.sem_alloc : memref<!tpu.dma_semaphore, #tpu.memory_space<semaphore_mem>>
      %dma_start3A = arith.constant 0 : i32
      %dma_start3A_34 = tpu.memref_slice %arg6[%arg0, %mul3A_33, %dma_start3A] : memref<2x10240x128xf32, #tpu.memory_space<hbm>> -> memref<1x640x128xf32, #tpu.memory_space<hbm>>
      %dma_start3A_35 = tpu.memref_squeeze %dma_start3A_34 : memref<1x640x128xf32, #tpu.memory_space<hbm>> -> memref<640x128xf32, #tpu.memory_space<hbm>>
      %dma_start3A_36 = arith.constant 0 : i32
      %dma_start3A_37 = tpu.memref_slice %arg10[%mul3A_31, %dma_start3A_36] : memref<10240x128xf32, #tpu.memory_space<vmem_shared>> -> memref<640x128xf32, #tpu.memory_space<vmem_shared>>
      tpu.enqueue_dma source(%dma_start3A_37 : memref<640x128xf32, #tpu.memory_space<vmem_shared>>) target(%dma_start3A_35 : memref<640x128xf32, #tpu.memory_space<hbm>>) target_semaphore(%run_scoped3A : memref<!tpu.dma_semaphore, #tpu.memory_space<semaphore_mem>>)
      %dma_wait3A = arith.constant 0 : i32
      %dma_wait3A_38 = tpu.memref_slice %arg6[%arg0, %mul3A_33, %dma_wait3A] : memref<2x10240x128xf32, #tpu.memory_space<hbm>> -> memref<1x640x128xf32, #tpu.memory_space<hbm>>
      %dma_wait3A_39 = tpu.memref_squeeze %dma_wait3A_38 : memref<1x640x128xf32, #tpu.memory_space<hbm>> -> memref<640x128xf32, #tpu.memory_space<hbm>>
      %dma_wait3A_40 = arith.constant 0 : i32
      %dma_wait3A_41 = tpu.memref_slice %arg10[%mul3A_31, %dma_wait3A_40] : memref<10240x128xf32, #tpu.memory_space<vmem_shared>> -> memref<640x128xf32, #tpu.memory_space<vmem_shared>>
      tpu.wait_dma2 semaphore(%run_scoped3A : memref<!tpu.dma_semaphore, #tpu.memory_space<semaphore_mem>>) src(%dma_wait3A_41 : memref<640x128xf32, #tpu.memory_space<vmem_shared>>) dst(%dma_wait3A_39 : memref<640x128xf32, #tpu.memory_space<hbm>>)
      tpu.yield
    }) : () -> ()
    return
  }
}

module attributes {stable_mosaic.version = 14 : i64} {
  func.func @_layer_body(%arg0: i32, %arg1: memref<2x1024x128xf32, #tpu.memory_space<vmem>>, %arg2: memref<1024x128xf32, #tpu.memory_space<vmem>>, %arg3: memref<2x1024x16xf32, #tpu.memory_space<vmem>>, %arg4: memref<1x128xf32, #tpu.memory_space<vmem>>, %arg5: memref<128x128xf32, #tpu.memory_space<vmem>>, %arg6: memref<1024x128xf32, #tpu.memory_space<vmem>>, %arg7: memref<1024x128xf32, #tpu.memory_space<vmem>>) attributes {dimension_semantics = [#tpu.dimension_semantics<arbitrary>], iteration_bounds = array<i64: 10>, scalar_prefetch = 0 : i64, scratch_operands = 0 : i64, tpu.core_type = #tpu.core_type<tc>, window_params = [{transform_indices = @transform_0, window_bounds = array<i64: 2, 1024, 128>}, {transform_indices = @transform_1, window_bounds = array<i64: 1024, 128>}, {transform_indices = @transform_2, window_bounds = array<i64: 2, 1024, 16>}, {pipeline_mode = #tpu.pipeline_mode<synchronous>, transform_indices = @transform_3, window_bounds = array<i64: 1, 128>}, {pipeline_mode = #tpu.pipeline_mode<synchronous>, transform_indices = @transform_4, window_bounds = array<i64: 128, 128>}, {transform_indices = @transform_5, window_bounds = array<i64: 1024, 128>}, {transform_indices = @transform_6, window_bounds = array<i64: 1024, 128>}]} {
    %get3A = arith.constant 0 : index
    %get3A_0 = arith.constant 0 : index
    %get3A_1 = arith.constant 0 : index
    %get3A_2 = vector.load %arg3[%get3A, %get3A_0, %get3A_1] : memref<2x1024x16xf32, #tpu.memory_space<vmem>>, vector<2x1024x16xf32>
    %slice3A = vector.extract_strided_slice %get3A_2 {offsets = [0, 0, 0], sizes = [1, 1024, 1], strides = [1, 1, 1]} : vector<2x1024x16xf32> to vector<1x1024x1xf32>
    %squeeze3A = vector.shape_cast %slice3A : vector<1x1024x1xf32> to vector<1024x1xf32>
    %add3A = arith.constant 1.000000e+00 : f32
    %add3A_3 = vector.broadcast %add3A : f32 to vector<1024x1xf32>
    %add3A_4 = arith.addf %add3A_3, %squeeze3A : vector<1024x1xf32>
    %slice3A_5 = vector.extract_strided_slice %get3A_2 {offsets = [1, 0, 0], sizes = [1, 1024, 1], strides = [1, 1, 1]} : vector<2x1024x16xf32> to vector<1x1024x1xf32>
    %squeeze3A_6 = vector.shape_cast %slice3A_5 : vector<1x1024x1xf32> to vector<1024x1xf32>
    %add3A_7 = arith.addf %add3A_4, %squeeze3A_6 : vector<1024x1xf32>
    %rsqrt3A = math.rsqrt %add3A_7 : vector<1024x1xf32>
    %get3A_8 = arith.constant 0 : index
    %get3A_9 = arith.constant 0 : index
    %get3A_10 = arith.constant 0 : index
    %get3A_11 = vector.load %arg1[%get3A_8, %get3A_9, %get3A_10] : memref<2x1024x128xf32, #tpu.memory_space<vmem>>, vector<2x1024x128xf32>
    %slice3A_12 = vector.extract_strided_slice %get3A_11 {offsets = [0, 0, 0], sizes = [1, 1024, 128], strides = [1, 1, 1]} : vector<2x1024x128xf32> to vector<1x1024x128xf32>
    %squeeze3A_13 = vector.shape_cast %slice3A_12 : vector<1x1024x128xf32> to vector<1024x128xf32>
    %slice3A_14 = vector.extract_strided_slice %get3A_11 {offsets = [1, 0, 0], sizes = [1, 1024, 128], strides = [1, 1, 1]} : vector<2x1024x128xf32> to vector<1x1024x128xf32>
    %squeeze3A_15 = vector.shape_cast %slice3A_14 : vector<1x1024x128xf32> to vector<1024x128xf32>
    %add3A_16 = arith.addf %squeeze3A_13, %squeeze3A_15 : vector<1024x128xf32>
    %mul3A = vector.broadcast %rsqrt3A : vector<1024x1xf32> to vector<1024x128xf32>
    %mul3A_17 = arith.mulf %mul3A, %add3A_16 : vector<1024x128xf32>
    %mul3A_18 = arith.mulf %rsqrt3A, %rsqrt3A : vector<1024x1xf32>
    %get3A_19 = arith.constant 0 : index
    %get3A_20 = arith.constant 0 : index
    %get3A_21 = vector.load %arg2[%get3A_19, %get3A_20] : memref<1024x128xf32, #tpu.memory_space<vmem>>, vector<1024x128xf32>
    %mul3A_22 = vector.broadcast %mul3A_18 : vector<1024x1xf32> to vector<1024x128xf32>
    %mul3A_23 = arith.mulf %mul3A_22, %get3A_21 : vector<1024x128xf32>
    %add3A_24 = arith.addf %mul3A_17, %mul3A_23 : vector<1024x128xf32>
    %get3A_25 = arith.constant 0 : index
    %get3A_26 = arith.constant 0 : index
    %get3A_27 = vector.load %arg4[%get3A_25, %get3A_26] : memref<1x128xf32, #tpu.memory_space<vmem>>, vector<1x128xf32>
    %add3A_28 = vector.broadcast %get3A_27 : vector<1x128xf32> to vector<1024x128xf32>
    %add3A_29 = arith.addf %add3A_24, %add3A_28 : vector<1024x128xf32>
    %max3A = arith.constant 0.000000e+00 : f32
    %max3A_30 = vector.broadcast %max3A : f32 to vector<1024x128xf32>
    %max3A_31 = arith.maximumf %add3A_29, %max3A_30 : vector<1024x128xf32>
    %get3A_32 = arith.constant 0 : index
    %get3A_33 = arith.constant 0 : index
    %get3A_34 = vector.load %arg5[%get3A_32, %get3A_33] : memref<128x128xf32, #tpu.memory_space<vmem>>, vector<128x128xf32>
    %dot_general3A = arith.constant dense<0.000000e+00> : vector<1024x128xf32>
    %dot_general3A_35 = tpu.matmul %max3A_31, %get3A_34, %dot_general3A {dimension_numbers = #tpu.dot_dimension_numbers<[1], [0], [0], [1], [0, 0, 1, 1], [], []>, transpose_lhs_hint = false} : vector<1024x128xf32>, vector<128x128xf32>, vector<1024x128xf32> -> vector<1024x128xf32>
    %swap3A = arith.constant 0 : index
    %swap3A_36 = arith.constant 0 : index
    %swap3A_37 = vector.load %arg6[%swap3A, %swap3A_36] : memref<1024x128xf32, #tpu.memory_space<vmem>>, vector<1024x128xf32>
    tpu.vector_store %arg6[%swap3A, %swap3A_36], %dot_general3A_35 {strides = array<i32>} : memref<1024x128xf32, #tpu.memory_space<vmem>>, vector<1024x128xf32>,
    %mul3A_38 = vector.broadcast %rsqrt3A : vector<1024x1xf32> to vector<1024x128xf32>
    %mul3A_39 = arith.mulf %dot_general3A_35, %mul3A_38 : vector<1024x128xf32>
    %swap3A_40 = arith.constant 0 : index
    %swap3A_41 = arith.constant 0 : index
    %swap3A_42 = vector.load %arg7[%swap3A_40, %swap3A_41] : memref<1024x128xf32, #tpu.memory_space<vmem>>, vector<1024x128xf32>
    tpu.vector_store %arg7[%swap3A_40, %swap3A_41], %mul3A_39 {strides = array<i32>} : memref<1024x128xf32, #tpu.memory_space<vmem>>, vector<1024x128xf32>,
    return
  }
  func.func @transform_0(%arg0: i32) -> (i32, i32, i32) {
    %c0_i32 = arith.constant 0 : i32
    %c0_i32_0 = arith.constant 0 : i32
    %c0_i32_1 = arith.constant 0 : i32
    return %c0_i32, %arg0, %c0_i32_0 : i32, i32, i32
  }
  func.func @transform_1(%arg0: i32) -> (i32, i32) {
    %c0_i32 = arith.constant 0 : i32
    %c0_i32_0 = arith.constant 0 : i32
    return %arg0, %c0_i32 : i32, i32
  }
  func.func @transform_2(%arg0: i32) -> (i32, i32, i32) {
    %c0_i32 = arith.constant 0 : i32
    %c0_i32_0 = arith.constant 0 : i32
    %c0_i32_1 = arith.constant 0 : i32
    return %c0_i32, %arg0, %c0_i32_0 : i32, i32, i32
  }
  func.func @transform_3(%arg0: i32) -> (i32, i32) {
    %c0_i32 = arith.constant 0 : i32
    %c0_i32_0 = arith.constant 0 : i32
    %c0_i32_1 = arith.constant 0 : i32
    return %c0_i32, %c0_i32_0 : i32, i32
  }
  func.func @transform_4(%arg0: i32) -> (i32, i32) {
    %c0_i32 = arith.constant 0 : i32
    %c0_i32_0 = arith.constant 0 : i32
    %c0_i32_1 = arith.constant 0 : i32
    return %c0_i32, %c0_i32_0 : i32, i32
  }
  func.func @transform_5(%arg0: i32) -> (i32, i32) {
    %c0_i32 = arith.constant 0 : i32
    %c0_i32_0 = arith.constant 0 : i32
    return %arg0, %c0_i32 : i32, i32
  }
  func.func @transform_6(%arg0: i32) -> (i32, i32) {
    %c0_i32 = arith.constant 0 : i32
    %c0_i32_0 = arith.constant 0 : i32
    return %arg0, %c0_i32 : i32, i32
  }
}

module attributes {stable_mosaic.version = 14 : i64} {
  func.func @_prep_body(%arg0: i32, %arg1: memref<2x1024x16xf32, #tpu.memory_space<vmem>>, %arg2: memref<1024x128xf32, #tpu.memory_space<vmem>>, %arg3: memref<128x128xf32, #tpu.memory_space<vmem>>, %arg4: memref<1024x128xf32, #tpu.memory_space<vmem>>, %arg5: memref<1024x128xf32, #tpu.memory_space<vmem>>) attributes {dimension_semantics = [#tpu.dimension_semantics<arbitrary>], iteration_bounds = array<i64: 10>, scalar_prefetch = 0 : i64, scratch_operands = 0 : i64, tpu.core_type = #tpu.core_type<tc>, window_params = [{transform_indices = @transform_0, window_bounds = array<i64: 2, 1024, 16>}, {transform_indices = @transform_1, window_bounds = array<i64: 1024, 128>}, {pipeline_mode = #tpu.pipeline_mode<synchronous>, transform_indices = @transform_2, window_bounds = array<i64: 128, 128>}, {transform_indices = @transform_3, window_bounds = array<i64: 1024, 128>}, {transform_indices = @transform_4, window_bounds = array<i64: 1024, 128>}]} {
    %get3A = arith.constant 0 : index
    %get3A_0 = arith.constant 0 : index
    %get3A_1 = arith.constant 0 : index
    %get3A_2 = vector.load %arg1[%get3A, %get3A_0, %get3A_1] : memref<2x1024x16xf32, #tpu.memory_space<vmem>>, vector<2x1024x16xf32>
    %slice3A = vector.extract_strided_slice %get3A_2 {offsets = [0, 0, 0], sizes = [1, 1024, 1], strides = [1, 1, 1]} : vector<2x1024x16xf32> to vector<1x1024x1xf32>
    %squeeze3A = vector.shape_cast %slice3A : vector<1x1024x1xf32> to vector<1024x1xf32>
    %add3A = arith.constant 1.000000e+00 : f32
    %add3A_3 = vector.broadcast %add3A : f32 to vector<1024x1xf32>
    %add3A_4 = arith.addf %add3A_3, %squeeze3A : vector<1024x1xf32>
    %slice3A_5 = vector.extract_strided_slice %get3A_2 {offsets = [1, 0, 0], sizes = [1, 1024, 1], strides = [1, 1, 1]} : vector<2x1024x16xf32> to vector<1x1024x1xf32>
    %squeeze3A_6 = vector.shape_cast %slice3A_5 : vector<1x1024x1xf32> to vector<1024x1xf32>
    %add3A_7 = arith.addf %add3A_4, %squeeze3A_6 : vector<1024x1xf32>
    %rsqrt3A = math.rsqrt %add3A_7 : vector<1024x1xf32>
    %get3A_8 = arith.constant 0 : index
    %get3A_9 = arith.constant 0 : index
    %get3A_10 = vector.load %arg2[%get3A_8, %get3A_9] : memref<1024x128xf32, #tpu.memory_space<vmem>>, vector<1024x128xf32>
    %get3A_11 = arith.constant 0 : index
    %get3A_12 = arith.constant 0 : index
    %get3A_13 = vector.load %arg3[%get3A_11, %get3A_12] : memref<128x128xf32, #tpu.memory_space<vmem>>, vector<128x128xf32>
    %dot_general3A = arith.constant dense<0.000000e+00> : vector<1024x128xf32>
    %dot_general3A_14 = tpu.matmul %get3A_10, %get3A_13, %dot_general3A {dimension_numbers = #tpu.dot_dimension_numbers<[1], [0], [0], [1], [0, 0, 1, 1], [], []>, transpose_lhs_hint = false} : vector<1024x128xf32>, vector<128x128xf32>, vector<1024x128xf32> -> vector<1024x128xf32>
    %swap3A = arith.constant 0 : index
    %swap3A_15 = arith.constant 0 : index
    %swap3A_16 = vector.load %arg4[%swap3A, %swap3A_15] : memref<1024x128xf32, #tpu.memory_space<vmem>>, vector<1024x128xf32>
    tpu.vector_store %arg4[%swap3A, %swap3A_15], %dot_general3A_14 {strides = array<i32>} : memref<1024x128xf32, #tpu.memory_space<vmem>>, vector<1024x128xf32>,
    %mul3A = vector.broadcast %rsqrt3A : vector<1024x1xf32> to vector<1024x128xf32>
    %mul3A_17 = arith.mulf %dot_general3A_14, %mul3A : vector<1024x128xf32>
    %swap3A_18 = arith.constant 0 : index
    %swap3A_19 = arith.constant 0 : index
    %swap3A_20 = vector.load %arg5[%swap3A_18, %swap3A_19] : memref<1024x128xf32, #tpu.memory_space<vmem>>, vector<1024x128xf32>
    tpu.vector_store %arg5[%swap3A_18, %swap3A_19], %mul3A_17 {strides = array<i32>} : memref<1024x128xf32, #tpu.memory_space<vmem>>, vector<1024x128xf32>,
    return
  }
  func.func @transform_0(%arg0: i32) -> (i32, i32, i32) {
    %c0_i32 = arith.constant 0 : i32
    %c0_i32_0 = arith.constant 0 : i32
    %c0_i32_1 = arith.constant 0 : i32
    return %c0_i32, %arg0, %c0_i32_0 : i32, i32, i32
  }
  func.func @transform_1(%arg0: i32) -> (i32, i32) {
    %c0_i32 = arith.constant 0 : i32
    %c0_i32_0 = arith.constant 0 : i32
    return %arg0, %c0_i32 : i32, i32
  }
  func.func @transform_2(%arg0: i32) -> (i32, i32) {
    %c0_i32 = arith.constant 0 : i32
    %c0_i32_0 = arith.constant 0 : i32
    %c0_i32_1 = arith.constant 0 : i32
    return %c0_i32, %c0_i32_0 : i32, i32
  }
  func.func @transform_3(%arg0: i32) -> (i32, i32) {
    %c0_i32 = arith.constant 0 : i32
    %c0_i32_0 = arith.constant 0 : i32
    return %arg0, %c0_i32 : i32, i32
  }
  func.func @transform_4(%arg0: i32) -> (i32, i32) {
    %c0_i32 = arith.constant 0 : i32
    %c0_i32_0 = arith.constant 0 : i32
    return %arg0, %c0_i32 : i32, i32
  }
}

module attributes {stable_mosaic.version = 14 : i64} {
  func.func @_readout_body(%arg0: i32, %arg1: memref<2x1024x128xf32, #tpu.memory_space<vmem>>, %arg2: memref<1024x128xf32, #tpu.memory_space<vmem>>, %arg3: memref<2x1024x16xf32, #tpu.memory_space<vmem>>, %arg4: memref<1x128xf32, #tpu.memory_space<vmem>>, %arg5: memref<1x1x1024xi32, #tpu.memory_space<vmem>>, %arg6: memref<30x20x128xf32, #tpu.memory_space<vmem>>, %arg7: memref<6x30xf32, #tpu.memory_space<vmem>>, %arg8: memref<128x6xf32, #tpu.memory_space<vmem>>, %arg9: memref<128x128xf32, #tpu.memory_space<vmem>>, %arg10: memref<128x1xf32, #tpu.memory_space<vmem>>) attributes {dimension_semantics = [#tpu.dimension_semantics<arbitrary>], iteration_bounds = array<i64: 10>, scalar_prefetch = 0 : i64, scratch_operands = 2 : i64, tpu.core_type = #tpu.core_type<tc>, window_params = [{transform_indices = @transform_0, window_bounds = array<i64: 2, 1024, 128>}, {transform_indices = @transform_1, window_bounds = array<i64: 1024, 128>}, {transform_indices = @transform_2, window_bounds = array<i64: 2, 1024, 16>}, {pipeline_mode = #tpu.pipeline_mode<synchronous>, transform_indices = @transform_3, window_bounds = array<i64: 1, 128>}, {transform_indices = @transform_4, window_bounds = array<i64: 1, 1, 1024>}, {pipeline_mode = #tpu.pipeline_mode<synchronous>, transform_indices = @transform_5, window_bounds = array<i64: 30, 20, 128>}, {pipeline_mode = #tpu.pipeline_mode<synchronous>, transform_indices = @transform_6, window_bounds = array<i64: 6, 30>}, {pipeline_mode = #tpu.pipeline_mode<synchronous>, transform_indices = @transform_7, window_bounds = array<i64: 128, 6>}]} {
    %eq3A = arith.constant 0 : i32
    %eq3A_0 = arith.cmpi eq, %arg0, %eq3A : i32
    %convert_element_type3A = arith.extui %eq3A_0 : i1 to i32
    %cond3A = arith.constant 0 : i32
    %cond3A_1 = arith.cmpi ne, %convert_element_type3A, %cond3A : i32
    scf.if %cond3A_1 {
      %broadcast_in_dim3A_63 = arith.constant 0.000000e+00 : f32
      %broadcast_in_dim3A_64 = vector.broadcast %broadcast_in_dim3A_63 : f32 to vector<128x128xf32>
      %swap3A_65 = arith.constant 0 : index
      %swap3A_66 = arith.constant 0 : index
      %swap3A_67 = vector.load %arg9[%swap3A_65, %swap3A_66] : memref<128x128xf32, #tpu.memory_space<vmem>>, vector<128x128xf32>
      tpu.vector_store %arg9[%swap3A_65, %swap3A_66], %broadcast_in_dim3A_64 {strides = array<i32>} : memref<128x128xf32, #tpu.memory_space<vmem>>, vector<128x128xf32>,
      %broadcast_in_dim3A_68 = arith.constant 0.000000e+00 : f32
      %broadcast_in_dim3A_69 = vector.broadcast %broadcast_in_dim3A_68 : f32 to vector<128x1xf32>
      %swap3A_70 = arith.constant 0 : index
      %swap3A_71 = arith.constant 0 : index
      %swap3A_72 = vector.load %arg10[%swap3A_70, %swap3A_71] : memref<128x1xf32, #tpu.memory_space<vmem>>, vector<128x1xf32>
      tpu.vector_store %arg10[%swap3A_70, %swap3A_71], %broadcast_in_dim3A_69 {strides = array<i32>} : memref<128x1xf32, #tpu.memory_space<vmem>>, vector<128x1xf32>,
    } else {
    }
    %get3A = arith.constant 0 : index
    %get3A_2 = arith.constant 0 : index
    %get3A_3 = arith.constant 0 : index
    %get3A_4 = vector.load %arg3[%get3A, %get3A_2, %get3A_3] : memref<2x1024x16xf32, #tpu.memory_space<vmem>>, vector<2x1024x16xf32>
    %slice3A = vector.extract_strided_slice %get3A_4 {offsets = [0, 0, 0], sizes = [1, 1024, 1], strides = [1, 1, 1]} : vector<2x1024x16xf32> to vector<1x1024x1xf32>
    %squeeze3A = vector.shape_cast %slice3A : vector<1x1024x1xf32> to vector<1024x1xf32>
    %add3A = arith.constant 1.000000e+00 : f32
    %add3A_5 = vector.broadcast %add3A : f32 to vector<1024x1xf32>
    %add3A_6 = arith.addf %add3A_5, %squeeze3A : vector<1024x1xf32>
    %slice3A_7 = vector.extract_strided_slice %get3A_4 {offsets = [1, 0, 0], sizes = [1, 1024, 1], strides = [1, 1, 1]} : vector<2x1024x16xf32> to vector<1x1024x1xf32>
    %squeeze3A_8 = vector.shape_cast %slice3A_7 : vector<1x1024x1xf32> to vector<1024x1xf32>
    %add3A_9 = arith.addf %add3A_6, %squeeze3A_8 : vector<1024x1xf32>
    %rsqrt3A = math.rsqrt %add3A_9 : vector<1024x1xf32>
    %get3A_10 = arith.constant 0 : index
    %get3A_11 = arith.constant 0 : index
    %get3A_12 = arith.constant 0 : index
    %get3A_13 = vector.load %arg1[%get3A_10, %get3A_11, %get3A_12] : memref<2x1024x128xf32, #tpu.memory_space<vmem>>, vector<2x1024x128xf32>
    %slice3A_14 = vector.extract_strided_slice %get3A_13 {offsets = [0, 0, 0], sizes = [1, 1024, 128], strides = [1, 1, 1]} : vector<2x1024x128xf32> to vector<1x1024x128xf32>
    %squeeze3A_15 = vector.shape_cast %slice3A_14 : vector<1x1024x128xf32> to vector<1024x128xf32>
    %slice3A_16 = vector.extract_strided_slice %get3A_13 {offsets = [1, 0, 0], sizes = [1, 1024, 128], strides = [1, 1, 1]} : vector<2x1024x128xf32> to vector<1x1024x128xf32>
    %squeeze3A_17 = vector.shape_cast %slice3A_16 : vector<1x1024x128xf32> to vector<1024x128xf32>
    %add3A_18 = arith.addf %squeeze3A_15, %squeeze3A_17 : vector<1024x128xf32>
    %mul3A = vector.broadcast %rsqrt3A : vector<1024x1xf32> to vector<1024x128xf32>
    %mul3A_19 = arith.mulf %mul3A, %add3A_18 : vector<1024x128xf32>
    %mul3A_20 = arith.mulf %rsqrt3A, %rsqrt3A : vector<1024x1xf32>
    %get3A_21 = arith.constant 0 : index
    %get3A_22 = arith.constant 0 : index
    %get3A_23 = vector.load %arg2[%get3A_21, %get3A_22] : memref<1024x128xf32, #tpu.memory_space<vmem>>, vector<1024x128xf32>
    %mul3A_24 = vector.broadcast %mul3A_20 : vector<1024x1xf32> to vector<1024x128xf32>
    %mul3A_25 = arith.mulf %mul3A_24, %get3A_23 : vector<1024x128xf32>
    %add3A_26 = arith.addf %mul3A_19, %mul3A_25 : vector<1024x128xf32>
    %get3A_27 = arith.constant 0 : index
    %get3A_28 = arith.constant 0 : index
    %get3A_29 = vector.load %arg4[%get3A_27, %get3A_28] : memref<1x128xf32, #tpu.memory_space<vmem>>, vector<1x128xf32>
    %add3A_30 = vector.broadcast %get3A_29 : vector<1x128xf32> to vector<1024x128xf32>
    %add3A_31 = arith.addf %add3A_26, %add3A_30 : vector<1024x128xf32>
    %max3A = arith.constant 0.000000e+00 : f32
    %max3A_32 = vector.broadcast %max3A : f32 to vector<1024x128xf32>
    %max3A_33 = arith.maximumf %add3A_31, %max3A_32 : vector<1024x128xf32>
    %get3A_34 = arith.constant 0 : index
    %get3A_35 = arith.constant 0 : index
    %get3A_36 = arith.constant 0 : index
    %get3A_37 = vector.load %arg5[%get3A_34, %get3A_35, %get3A_36] : memref<1x1x1024xi32, #tpu.memory_space<vmem>>, vector<1x1x1024xi32>
    %reshape3A = vector.shape_cast %get3A_37 : vector<1x1x1024xi32> to vector<1x1024xi32>
    %iota3A = tpu.iota {dimensions = array<i32: 0>} : vector<128x1024xi32>
    %eq3A_38 = vector.broadcast %reshape3A : vector<1x1024xi32> to vector<128x1024xi32>
    %eq3A_39 = arith.cmpi eq, %iota3A, %eq3A_38 : vector<128x1024xi32>
    %jit3A = arith.constant 1.000000e+00 : f32
    %jit3A_40 = arith.constant 0.000000e+00 : f32
    %broadcast_in_dim3A = vector.broadcast %jit3A : f32 to vector<128x1024xf32>
    %broadcast_in_dim3A_41 = vector.broadcast %jit3A_40 : f32 to vector<128x1024xf32>
    %select_n3A = arith.select %eq3A_39, %broadcast_in_dim3A, %broadcast_in_dim3A_41 : vector<128x1024xi1>, vector<128x1024xf32>
    %get3A_42 = arith.constant 0 : index
    %get3A_43 = arith.constant 0 : index
    %get3A_44 = vector.load %arg9[%get3A_42, %get3A_43] : memref<128x128xf32, #tpu.memory_space<vmem>>, vector<128x128xf32>
    %dot_general3A = arith.constant dense<0.000000e+00> : vector<128x128xf32>
    %dot_general3A_45 = tpu.matmul %select_n3A, %max3A_33, %dot_general3A {dimension_numbers = #tpu.dot_dimension_numbers<[1], [0], [0], [1], [0, 0, 1, 1], [], []>, transpose_lhs_hint = false} : vector<128x1024xf32>, vector<1024x128xf32>, vector<128x128xf32> -> vector<128x128xf32>
    %add3A_46 = arith.addf %get3A_44, %dot_general3A_45 : vector<128x128xf32>
    %swap3A = arith.constant 0 : index
    %swap3A_47 = arith.constant 0 : index
    %swap3A_48 = vector.load %arg9[%swap3A, %swap3A_47] : memref<128x128xf32, #tpu.memory_space<vmem>>, vector<128x128xf32>
    tpu.vector_store %arg9[%swap3A, %swap3A_47], %add3A_46 {strides = array<i32>} : memref<128x128xf32, #tpu.memory_space<vmem>>, vector<128x128xf32>,
    %get3A_49 = arith.constant 0 : index
    %get3A_50 = arith.constant 0 : index
    %get3A_51 = vector.load %arg10[%get3A_49, %get3A_50] : memref<128x1xf32, #tpu.memory_space<vmem>>, vector<128x1xf32>
    %reduce_sum3A = arith.constant dense<0.000000e+00> : vector<128xf32>
    %reduce_sum3A_52 = vector.multi_reduction <add>, %select_n3A, %reduce_sum3A [1] : vector<128x1024xf32> to vector<128xf32>
    %broadcast_in_dim3A_53 = vector.shape_cast %reduce_sum3A_52 : vector<128xf32> to vector<128x1xf32>
    %add3A_54 = arith.addf %get3A_51, %broadcast_in_dim3A_53 : vector<128x1xf32>
    %swap3A_55 = arith.constant 0 : index
    %swap3A_56 = arith.constant 0 : index
    %swap3A_57 = vector.load %arg10[%swap3A_55, %swap3A_56] : memref<128x1xf32, #tpu.memory_space<vmem>>, vector<128x1xf32>
    tpu.vector_store %arg10[%swap3A_55, %swap3A_56], %add3A_54 {strides = array<i32>} : memref<128x1xf32, #tpu.memory_space<vmem>>, vector<128x1xf32>,
    %eq3A_58 = arith.constant 9 : i32
    %eq3A_59 = arith.cmpi eq, %arg0, %eq3A_58 : i32
    %convert_element_type3A_60 = arith.extui %eq3A_59 : i1 to i32
    %cond3A_61 = arith.constant 0 : i32
    %cond3A_62 = arith.cmpi ne, %convert_element_type3A_60, %cond3A_61 : i32
    scf.if %cond3A_62 {
      %get3A_63 = arith.constant 0 : index
      %get3A_64 = arith.constant 0 : index
      %get3A_65 = vector.load %arg10[%get3A_63, %get3A_64] : memref<128x1xf32, #tpu.memory_space<vmem>>, vector<128x1xf32>
      %max3A_66 = arith.constant 1.000000e+00 : f32
      %max3A_67 = vector.broadcast %max3A_66 : f32 to vector<128x1xf32>
      %max3A_68 = arith.maximumf %get3A_65, %max3A_67 : vector<128x1xf32>
      %get3A_69 = arith.constant 0 : index
      %get3A_70 = arith.constant 0 : index
      %get3A_71 = vector.load %arg9[%get3A_69, %get3A_70] : memref<128x128xf32, #tpu.memory_space<vmem>>, vector<128x128xf32>
      %div3A = vector.broadcast %max3A_68 : vector<128x1xf32> to vector<128x128xf32>
      %div3A_72 = arith.divf %get3A_71, %div3A : vector<128x128xf32>
      %get3A_73 = arith.constant 0 : index
      %get3A_74 = arith.constant 0 : index
      %get3A_75 = arith.constant 0 : index
      %get3A_76 = vector.load %arg6[%get3A_73, %get3A_74, %get3A_75] : memref<30x20x128xf32, #tpu.memory_space<vmem>>, vector<30x20x128xf32>
      %slice3A_77 = vector.extract_strided_slice %get3A_76 {offsets = [0, 0, 0], sizes = [30, 1, 128], strides = [1, 1, 1]} : vector<30x20x128xf32> to vector<30x1x128xf32>
      %squeeze3A_78 = vector.shape_cast %slice3A_77 : vector<30x1x128xf32> to vector<30x128xf32>
      %slice3A_79 = vector.extract_strided_slice %get3A_76 {offsets = [0, 1, 0], sizes = [30, 1, 128], strides = [1, 1, 1]} : vector<30x20x128xf32> to vector<30x1x128xf32>
      %squeeze3A_80 = vector.shape_cast %slice3A_79 : vector<30x1x128xf32> to vector<30x128xf32>
      %add3A_81 = arith.addf %squeeze3A_78, %squeeze3A_80 : vector<30x128xf32>
      %slice3A_82 = vector.extract_strided_slice %get3A_76 {offsets = [0, 2, 0], sizes = [30, 1, 128], strides = [1, 1, 1]} : vector<30x20x128xf32> to vector<30x1x128xf32>
      %squeeze3A_83 = vector.shape_cast %slice3A_82 : vector<30x1x128xf32> to vector<30x128xf32>
      %add3A_84 = arith.addf %add3A_81, %squeeze3A_83 : vector<30x128xf32>
      %slice3A_85 = vector.extract_strided_slice %get3A_76 {offsets = [0, 3, 0], sizes = [30, 1, 128], strides = [1, 1, 1]} : vector<30x20x128xf32> to vector<30x1x128xf32>
      %squeeze3A_86 = vector.shape_cast %slice3A_85 : vector<30x1x128xf32> to vector<30x128xf32>
      %add3A_87 = arith.addf %add3A_84, %squeeze3A_86 : vector<30x128xf32>
      %slice3A_88 = vector.extract_strided_slice %get3A_76 {offsets = [0, 4, 0], sizes = [30, 1, 128], strides = [1, 1, 1]} : vector<30x20x128xf32> to vector<30x1x128xf32>
      %squeeze3A_89 = vector.shape_cast %slice3A_88 : vector<30x1x128xf32> to vector<30x128xf32>
      %add3A_90 = arith.addf %add3A_87, %squeeze3A_89 : vector<30x128xf32>
      %slice3A_91 = vector.extract_strided_slice %get3A_76 {offsets = [0, 5, 0], sizes = [30, 1, 128], strides = [1, 1, 1]} : vector<30x20x128xf32> to vector<30x1x128xf32>
      %squeeze3A_92 = vector.shape_cast %slice3A_91 : vector<30x1x128xf32> to vector<30x128xf32>
      %add3A_93 = arith.addf %add3A_90, %squeeze3A_92 : vector<30x128xf32>
      %slice3A_94 = vector.extract_strided_slice %get3A_76 {offsets = [0, 6, 0], sizes = [30, 1, 128], strides = [1, 1, 1]} : vector<30x20x128xf32> to vector<30x1x128xf32>
      %squeeze3A_95 = vector.shape_cast %slice3A_94 : vector<30x1x128xf32> to vector<30x128xf32>
      %add3A_96 = arith.addf %add3A_93, %squeeze3A_95 : vector<30x128xf32>
      %slice3A_97 = vector.extract_strided_slice %get3A_76 {offsets = [0, 7, 0], sizes = [30, 1, 128], strides = [1, 1, 1]} : vector<30x20x128xf32> to vector<30x1x128xf32>
      %squeeze3A_98 = vector.shape_cast %slice3A_97 : vector<30x1x128xf32> to vector<30x128xf32>
      %add3A_99 = arith.addf %add3A_96, %squeeze3A_98 : vector<30x128xf32>
      %slice3A_100 = vector.extract_strided_slice %get3A_76 {offsets = [0, 8, 0], sizes = [30, 1, 128], strides = [1, 1, 1]} : vector<30x20x128xf32> to vector<30x1x128xf32>
      %squeeze3A_101 = vector.shape_cast %slice3A_100 : vector<30x1x128xf32> to vector<30x128xf32>
      %add3A_102 = arith.addf %add3A_99, %squeeze3A_101 : vector<30x128xf32>
      %slice3A_103 = vector.extract_strided_slice %get3A_76 {offsets = [0, 9, 0], sizes = [30, 1, 128], strides = [1, 1, 1]} : vector<30x20x128xf32> to vector<30x1x128xf32>
      %squeeze3A_104 = vector.shape_cast %slice3A_103 : vector<30x1x128xf32> to vector<30x128xf32>
      %add3A_105 = arith.addf %add3A_102, %squeeze3A_104 : vector<30x128xf32>
      %slice3A_106 = vector.extract_strided_slice %get3A_76 {offsets = [0, 10, 0], sizes = [30, 1, 128], strides = [1, 1, 1]} : vector<30x20x128xf32> to vector<30x1x128xf32>
      %squeeze3A_107 = vector.shape_cast %slice3A_106 : vector<30x1x128xf32> to vector<30x128xf32>
      %add3A_108 = arith.addf %add3A_105, %squeeze3A_107 : vector<30x128xf32>
      %slice3A_109 = vector.extract_strided_slice %get3A_76 {offsets = [0, 11, 0], sizes = [30, 1, 128], strides = [1, 1, 1]} : vector<30x20x128xf32> to vector<30x1x128xf32>
      %squeeze3A_110 = vector.shape_cast %slice3A_109 : vector<30x1x128xf32> to vector<30x128xf32>
      %add3A_111 = arith.addf %add3A_108, %squeeze3A_110 : vector<30x128xf32>
      %slice3A_112 = vector.extract_strided_slice %get3A_76 {offsets = [0, 12, 0], sizes = [30, 1, 128], strides = [1, 1, 1]} : vector<30x20x128xf32> to vector<30x1x128xf32>
      %squeeze3A_113 = vector.shape_cast %slice3A_112 : vector<30x1x128xf32> to vector<30x128xf32>
      %add3A_114 = arith.addf %add3A_111, %squeeze3A_113 : vector<30x128xf32>
      %slice3A_115 = vector.extract_strided_slice %get3A_76 {offsets = [0, 13, 0], sizes = [30, 1, 128], strides = [1, 1, 1]} : vector<30x20x128xf32> to vector<30x1x128xf32>
      %squeeze3A_116 = vector.shape_cast %slice3A_115 : vector<30x1x128xf32> to vector<30x128xf32>
      %add3A_117 = arith.addf %add3A_114, %squeeze3A_116 : vector<30x128xf32>
      %slice3A_118 = vector.extract_strided_slice %get3A_76 {offsets = [0, 14, 0], sizes = [30, 1, 128], strides = [1, 1, 1]} : vector<30x20x128xf32> to vector<30x1x128xf32>
      %squeeze3A_119 = vector.shape_cast %slice3A_118 : vector<30x1x128xf32> to vector<30x128xf32>
      %add3A_120 = arith.addf %add3A_117, %squeeze3A_119 : vector<30x128xf32>
      %slice3A_121 = vector.extract_strided_slice %get3A_76 {offsets = [0, 15, 0], sizes = [30, 1, 128], strides = [1, 1, 1]} : vector<30x20x128xf32> to vector<30x1x128xf32>
      %squeeze3A_122 = vector.shape_cast %slice3A_121 : vector<30x1x128xf32> to vector<30x128xf32>
      %add3A_123 = arith.addf %add3A_120, %squeeze3A_122 : vector<30x128xf32>
      %slice3A_124 = vector.extract_strided_slice %get3A_76 {offsets = [0, 16, 0], sizes = [30, 1, 128], strides = [1, 1, 1]} : vector<30x20x128xf32> to vector<30x1x128xf32>
      %squeeze3A_125 = vector.shape_cast %slice3A_124 : vector<30x1x128xf32> to vector<30x128xf32>
      %add3A_126 = arith.addf %add3A_123, %squeeze3A_125 : vector<30x128xf32>
      %slice3A_127 = vector.extract_strided_slice %get3A_76 {offsets = [0, 17, 0], sizes = [30, 1, 128], strides = [1, 1, 1]} : vector<30x20x128xf32> to vector<30x1x128xf32>
      %squeeze3A_128 = vector.shape_cast %slice3A_127 : vector<30x1x128xf32> to vector<30x128xf32>
      %add3A_129 = arith.addf %add3A_126, %squeeze3A_128 : vector<30x128xf32>
      %slice3A_130 = vector.extract_strided_slice %get3A_76 {offsets = [0, 18, 0], sizes = [30, 1, 128], strides = [1, 1, 1]} : vector<30x20x128xf32> to vector<30x1x128xf32>
      %squeeze3A_131 = vector.shape_cast %slice3A_130 : vector<30x1x128xf32> to vector<30x128xf32>
      %add3A_132 = arith.addf %add3A_129, %squeeze3A_131 : vector<30x128xf32>
      %slice3A_133 = vector.extract_strided_slice %get3A_76 {offsets = [0, 19, 0], sizes = [30, 1, 128], strides = [1, 1, 1]} : vector<30x20x128xf32> to vector<30x1x128xf32>
      %squeeze3A_134 = vector.shape_cast %slice3A_133 : vector<30x1x128xf32> to vector<30x128xf32>
      %add3A_135 = arith.addf %add3A_132, %squeeze3A_134 : vector<30x128xf32>
      %mul3A_136 = arith.constant 5.000000e-02 : f32
      %mul3A_137 = vector.broadcast %mul3A_136 : f32 to vector<30x128xf32>
      %mul3A_138 = arith.mulf %add3A_135, %mul3A_137 : vector<30x128xf32>
      %dot_general3A_139 = arith.constant dense<0.000000e+00> : vector<128x30xf32>
      %dot_general3A_140 = tpu.matmul %div3A_72, %mul3A_138, %dot_general3A_139 {dimension_numbers = #tpu.dot_dimension_numbers<[1], [1], [0], [0], [0, 0, 1, 0], [], []>, transpose_lhs_hint = false} : vector<128x128xf32>, vector<30x128xf32>, vector<128x30xf32> -> vector<128x30xf32>
      %mul3A_141 = arith.mulf %div3A_72, %div3A_72 : vector<128x128xf32>
      %reduce_sum3A_142 = arith.constant dense<0.000000e+00> : vector<128xf32>
      %reduce_sum3A_143 = vector.multi_reduction <add>, %mul3A_141, %reduce_sum3A_142 [1] : vector<128x128xf32> to vector<128xf32>
      %broadcast_in_dim3A_144 = vector.shape_cast %reduce_sum3A_143 : vector<128xf32> to vector<128x1xf32>
      %mul3A_145 = arith.mulf %mul3A_138, %mul3A_138 : vector<30x128xf32>
      %reduce_sum3A_146 = arith.constant dense<0.000000e+00> : vector<30xf32>
      %reduce_sum3A_147 = vector.multi_reduction <add>, %mul3A_145, %reduce_sum3A_146 [1] : vector<30x128xf32> to vector<30xf32>
      %broadcast_in_dim3A_148 = vector.shape_cast %reduce_sum3A_147 : vector<30xf32> to vector<1x30xf32>
      %add3A_149 = vector.broadcast %broadcast_in_dim3A_144 : vector<128x1xf32> to vector<128x30xf32>
      %add3A_150 = vector.broadcast %broadcast_in_dim3A_148 : vector<1x30xf32> to vector<128x30xf32>
      %add3A_151 = arith.addf %add3A_149, %add3A_150 : vector<128x30xf32>
      %mul3A_152 = arith.constant 2.000000e+00 : f32
      %mul3A_153 = vector.broadcast %mul3A_152 : f32 to vector<128x30xf32>
      %mul3A_154 = arith.mulf %mul3A_153, %dot_general3A_140 : vector<128x30xf32>
      %sub3A = arith.subf %add3A_151, %mul3A_154 : vector<128x30xf32>
      %max3A_155 = arith.constant 0.000000e+00 : f32
      %max3A_156 = vector.broadcast %max3A_155 : f32 to vector<128x30xf32>
      %max3A_157 = arith.maximumf %sub3A, %max3A_156 : vector<128x30xf32>
      %add3A_158 = arith.constant 1.000000e+00 : f32
      %add3A_159 = vector.broadcast %add3A_158 : f32 to vector<128x30xf32>
      %add3A_160 = arith.addf %max3A_157, %add3A_159 : vector<128x30xf32>
      %add3A_161 = arith.constant 9.99999974E-5 : f32
      %add3A_162 = vector.broadcast %add3A_161 : f32 to vector<128x30xf32>
      %add3A_163 = arith.addf %max3A_157, %add3A_162 : vector<128x30xf32>
      %div3A_164 = arith.divf %add3A_160, %add3A_163 : vector<128x30xf32>
      %log3A = math.log %div3A_164 : vector<128x30xf32>
      %get3A_165 = arith.constant 0 : index
      %get3A_166 = arith.constant 0 : index
      %get3A_167 = vector.load %arg7[%get3A_165, %get3A_166] : memref<6x30xf32, #tpu.memory_space<vmem>>, vector<6x30xf32>
      %dot_general3A_168 = arith.constant dense<0.000000e+00> : vector<128x6xf32>
      %dot_general3A_169 = tpu.matmul %log3A, %get3A_167, %dot_general3A_168 {dimension_numbers = #tpu.dot_dimension_numbers<[1], [1], [0], [0], [0, 0, 1, 0], [], []>, transpose_lhs_hint = false} : vector<128x30xf32>, vector<6x30xf32>, vector<128x6xf32> -> vector<128x6xf32>
      %swap3A_170 = arith.constant 0 : index
      %swap3A_171 = arith.constant 0 : index
      %swap3A_172 = vector.load %arg8[%swap3A_170, %swap3A_171] : memref<128x6xf32, #tpu.memory_space<vmem>>, vector<128x6xf32>
      tpu.vector_store %arg8[%swap3A_170, %swap3A_171], %dot_general3A_169 {strides = array<i32>} : memref<128x6xf32, #tpu.memory_space<vmem>>, vector<128x6xf32>,
    } else {
    }
    return
  }
  func.func @transform_0(%arg0: i32) -> (i32, i32, i32) {
    %c0_i32 = arith.constant 0 : i32
    %c0_i32_0 = arith.constant 0 : i32
    %c0_i32_1 = arith.constant 0 : i32
    return %c0_i32, %arg0, %c0_i32_0 : i32, i32, i32
  }
  func.func @transform_1(%arg0: i32) -> (i32, i32) {
    %c0_i32 = arith.constant 0 : i32
    %c0_i32_0 = arith.constant 0 : i32
    return %arg0, %c0_i32 : i32, i32
  }
  func.func @transform_2(%arg0: i32) -> (i32, i32, i32) {
    %c0_i32 = arith.constant 0 : i32
    %c0_i32_0 = arith.constant 0 : i32
    %c0_i32_1 = arith.constant 0 : i32
    return %c0_i32, %arg0, %c0_i32_0 : i32, i32, i32
  }
  func.func @transform_3(%arg0: i32) -> (i32, i32) {
    %c0_i32 = arith.constant 0 : i32
    %c0_i32_0 = arith.constant 0 : i32
    %c0_i32_1 = arith.constant 0 : i32
    return %c0_i32, %c0_i32_0 : i32, i32
  }
  func.func @transform_4(%arg0: i32) -> (i32, i32, i32) {
    %c0_i32 = arith.constant 0 : i32
    %c0_i32_0 = arith.constant 0 : i32
    %c0_i32_1 = arith.constant 0 : i32
    return %arg0, %c0_i32, %c0_i32_0 : i32, i32, i32
  }
  func.func @transform_5(%arg0: i32) -> (i32, i32, i32) {
    %c0_i32 = arith.constant 0 : i32
    %c0_i32_0 = arith.constant 0 : i32
    %c0_i32_1 = arith.constant 0 : i32
    %c0_i32_2 = arith.constant 0 : i32
    return %c0_i32, %c0_i32_0, %c0_i32_1 : i32, i32, i32
  }
  func.func @transform_6(%arg0: i32) -> (i32, i32) {
    %c0_i32 = arith.constant 0 : i32
    %c0_i32_0 = arith.constant 0 : i32
    %c0_i32_1 = arith.constant 0 : i32
    return %c0_i32, %c0_i32_0 : i32, i32
  }
  func.func @transform_7(%arg0: i32) -> (i32, i32) {
    %c0_i32 = arith.constant 0 : i32
    %c0_i32_0 = arith.constant 0 : i32
    %c0_i32_1 = arith.constant 0 : i32
    return %c0_i32, %c0_i32_0 : i32, i32
  }
}

</mosaic_0001>

<sc_bundles>
// kernel: kernel.10.cloned.1.call-start
scs
__scs_entry_jumppad:
0x0: {  	(pc) =	sbr.rel $0x88, $3  }
0x1: {  	(tag) =	ssettag $0x0;
	lr =	simm.s32 $0x1  }
0x2: {  	[smem:$0x3F96] =	sst lr;
	_ =	strace $0xD0000000  }
0x3: {  	_ = 	snop  }
0x4: {  	_ = 	snop  }
0x5: {  	_ = 	snop  }
0x6: {  	_ = 	snop  }
0x7: {  	_ = 	snop  }
__scs_overlays_trampoline_lowered:
0x8: {  	[smem:$0x3FA5] =	sst s0  }
0x9: {  	[smem:$0x3FA6] =	sst s1  }
0xa: {  	[smem:$0x3FA7] =	sst s2  }
0xb: {  	[smem:$0x3FA8] =	sst s3  }
0xc: {  	[smem:$0x3FA9] =	sst s4  }
0xd: {  	[smem:$0x3FAA] =	sst s5  }
0xe: {  	[smem:$0x3FAB] =	sst s6  }
0xf: {  	[smem:$0x3FAC] =	sst s7  }
0x10: {  	[smem:$0x3FAD] =	sst s8  }
0x11: {  	[smem:$0x3FAE] =	sst s9;
	s0 =	simm.s32 @!p0 $0x0  }
0x12: {  	s1 =	sld [smem:$0x3F94];
	s0 =	simm.s32 @p0 $0x1  }
0x13: {  	[smem:$0x3FAF] =	sst s0;
	s0 =	simm.s32 @!p1 $0x0  }
0x14: {  	s2 =	sld [smem:$0x3F93];
	s0 =	simm.s32 @p1 $0x1  }
0x15: {  	[smem:$0x3FB0] =	sst s0;
	s0 =	simm.s32 @!p2 $0x0  }
0x16: {  	s3 =	sld [smem:$0x3FDB];
	s0 =	simm.s32 @p2 $0x1  }
0x17: {  	s4 =	simm.s32 $0x1BF5;
	[smem:$0x3FB2] =	sst s0  }
0x18: {  	s0 =	sld [smem:$0x3F95];
	_ =	swait.ge [sflag:s4], $0x0  }
0x19: {  	s7 =	sld [smem:$0x3F96]  }
0x1a: {  	s8 =	sadd.s32 $0xFFFFE003, lr  }
0x1b: {  	s9 =	sadd.s32 $0xFFFFFEF7, lr;
	s5 =	simm.s32 $0xFFFFFFFF;
	p2 =	slt.u32 s8, $0xFFFFF086  }
0x1c: {  	p1 =	slt.u32 s9, $0xF7A;
	s5 =	simm.s32 @!p2 $0x0  }
0x1d: {  	s5 =	simm.s32 @p1 $0x1;
	p0 =	seq.s32 s7, s2  }
0x1e: {  	s7 =	smul.u32 @!p0 $0xF7A, s2;
	p2 =	seq.s32 @!p0 s5, $0x0  }
0x1f: {  	s9 =	smul.u32 $0xF7A, s1;
	s8 =	simm.s32 @!p0 $0x1BF5;
	p2 =	por !p2, p0  }
0x20: {  	[sflag:s8] =	ssyncset.s32 @!p0 $0xFFFFF086;
	s6 =	sadd.s32 @!p0 s3, s7;
	s7 =	simm.s32 @!p0 $0x108  }
0x21: {  	s3 =	sadd.s32 s3, s9;
	s6 =	sadd.s32 @!p0 $0x88, s6;
	s7 =	simm.s32 @p2 $0x1082  }
0x22: {  	[simem:s7], [sflag:s8] =	dma.local @!p0 [hbm:s6], $0xF7A  }
0x23: {  	s9 =	sor.u32 $0xD0000000, s2;
	s6 =	simm.s32 $0x108;
	_ =	swait.ge @!p0 [sflag:s8], $0x0  }
0x24: {  	s3 =	sadd.s32 $0x88, s3;
	s6 =	simm.s32 @!p1 $0x1082;
	[sflag:s4] =	ssyncset.s32 $0xFFFFF086  }
0x25: {  	[simem:s6], [sflag:s4] =	dma.local [hbm:s3], $0xF7A  }
0x26: {  	[smem:$0x3F96] =	sst s1;
	(tag) =	ssettag s2;
	_ =	strace s9  }
0x27: {  	s1 =	sld [smem:$0x3FA6]  }
0x28: {  	s2 =	sld [smem:$0x3FA7]  }
0x29: {  	s4 =	sld [smem:$0x3FA9]  }
0x2a: {  	p0 =	seq.s32 s5, $0x0;
	s5 =	sld [smem:$0x3FAA]  }
0x2b: {  	s6 =	sld [smem:$0x3FAB]  }
0x2c: {  	s7 =	sld [smem:$0x3FAC]  }
0x2d: {  	s3 =	simm.s32 $0x108;
	s8 =	sld [smem:$0x3FAD]  }
0x2e: {  	s3 =	simm.s32 @!p0 $0x1082;
	s9 =	sld [smem:$0x3FAE]  }
0x2f: {  	lr =	sadd.s32 s0, s3;
	s0 =	sld [smem:$0x3FA5]  }
0x30: {  	s3 =	sld [smem:$0x3FA8]  }
0x31: {  	[smem:$0x3FB1] =	sst s10  }
0x32: {  	s10 =	sld [smem:$0x3FAF];
	_ =	sdelay $0x3  }
0x33: {  	p0 =	seq.s32 s10, $0x1;
	s10 =	sld [smem:$0x3FB1];
	_ =	sdelay $0x3  }
0x34: {  	[smem:$0x3FB1] =	sst s10  }
0x35: {  	s10 =	sld [smem:$0x3FB0];
	_ =	sdelay $0x3  }
0x36: {  	p1 =	seq.s32 s10, $0x1;
	s10 =	sld [smem:$0x3FB1];
	_ =	sdelay $0x3  }
0x37: {  	[smem:$0x3FB1] =	sst s10  }
0x38: {  	s10 =	sld [smem:$0x3FB2]  }
0x39: {  	_ = 	snop;
	(pc) =	sbr.ind lr, $3  }
0x3a: {  	_ = 	snop  }
0x3b: {  	_ = 	snop  }
0x3c: {  	p2 =	seq.s32 s10, $0x1;
	s10 =	sld [smem:$0x3FB1]  }
0x3d: {  	_ =	shalt  }
0x3e: {  	_ =	shalt  }
0x3f: {  	_ =	shalt  }
0x40: {  	_ =	shalt  }
0x41: {  	_ =	shalt  }
0x42: {  	_ =	shalt  }
0x43: {  	_ =	shalt  }
0x44: {  	_ =	shalt  }
0x45: {  	_ =	shalt  }
0x46: {  	_ =	shalt  }
0x47: {  	_ =	shalt  }
0x48: {  	_ =	shalt  }
0x49: {  	_ =	shalt  }
0x4a: {  	_ =	shalt  }
0x4b: {  	_ =	shalt  }
0x4c: {  	_ =	shalt  }
0x4d: {  	_ =	shalt  }
0x4e: {  	_ =	shalt  }
0x4f: {  	_ =	shalt  }
0x50: {  	_ =	shalt  }
0x51: {  	_ =	shalt  }
0x52: {  	_ =	shalt  }
0x53: {  	_ =	shalt  }
0x54: {  	_ =	shalt  }
0x55: {  	_ =	shalt  }
0x56: {  	_ =	shalt  }
0x57: {  	_ =	shalt  }
0x58: {  	_ =	shalt  }
0x59: {  	_ =	shalt  }
0x5a: {  	_ =	shalt  }
0x5b: {  	_ =	shalt  }
0x5c: {  	_ =	shalt  }
0x5d: {  	_ =	shalt  }
0x5e: {  	_ =	shalt  }
0x5f: {  	_ =	shalt  }
0x60: {  	_ =	shalt  }
0x61: {  	_ =	shalt  }
0x62: {  	_ =	shalt  }
0x63: {  	_ =	shalt  }
0x64: {  	_ =	shalt  }
0x65: {  	_ =	shalt  }
0x66: {  	_ =	shalt  }
0x67: {  	_ =	shalt  }
0x68: {  	_ =	shalt  }
0x69: {  	_ =	shalt  }
0x6a: {  	_ =	shalt  }
0x6b: {  	_ =	shalt  }
0x6c: {  	_ =	shalt  }
0x6d: {  	_ =	shalt  }
0x6e: {  	_ =	shalt  }
0x6f: {  	_ =	shalt  }
0x70: {  	_ =	shalt  }
0x71: {  	_ =	shalt  }
0x72: {  	_ =	shalt  }
0x73: {  	_ =	shalt  }
0x74: {  	_ =	shalt  }
0x75: {  	_ =	shalt  }
0x76: {  	_ =	shalt  }
0x77: {  	_ =	shalt  }
0x78: {  	_ =	shalt  }
0x79: {  	_ =	shalt  }
0x7a: {  	_ =	shalt  }
0x7b: {  	_ =	shalt  }
0x7c: {  	_ =	shalt  }
0x7d: {  	_ =	shalt  }
0x7e: {  	_ =	shalt  }
0x7f: {  	_ =	shalt  }
0x80: {  	_ =	shalt  }
0x81: {  	_ =	shalt  }
0x82: {  	_ =	shalt  }
0x83: {  	_ =	shalt  }
0x84: {  	_ =	shalt  }
0x85: {  	_ =	shalt  }
0x86: {  	_ =	shalt  }
0x87: {  	_ =	shalt  }
.Lfunc_end0:
.L_simem_size_0:
called_computation_lowered:
.L_overlay_start_0:
0x88: {  	s2 =	sld [smem:$0x3FD9]  }
0x89: {  	s3 =	sld [smem:$0x3FFE];
	_ =	sdelay $0x1  }
0x8a: {  	s1 =	srdreg.scid  }
0x8b: {  	s0 =	sand.u32 $0x1, s1  }
0x8c: {  	s16 =	sshll.u32 s0, $0xA;
	s2 =	sadd.s32 s3, s2  }
0x8d: {  	s2 =	sadd.s32 s2, s16  }
0x8e: {  	[smem:$0x3FBD] =	sst s2  }
0x8f: {  	_ = 	snop  }
0x90: {  	(tm) =	ssettm $0x1  }
0x91: {  	s17 =	sld [smem:$0x3FFB];
	_ =	sdelay $0x3  }
0x92: {  	_ =	strace s17  }
0x93: {  	s2 =	sld [smem:$0x3FFC];
	_ =	sdelay $0x3  }
0x94: {  	_ =	strace s2  }
0x95: {  	s2 =	sld [smem:$0x3FFD];
	_ =	sdelay $0x3  }
0x96: {  	_ =	strace s2  }
0x97: {  	_ =	strace $0x8FFFFFFF  }
0x98: {  	s18 =	sld [smem:$0x3FDB];
	_ =	sdelay $0x1  }
0x99: {  	s19 =	simm.s32 $_scs_section_size  }
0x9a: {  	s4 =	simm.s32 $_size__tile_overlayer_lowered;
	s5 =	simm.s32 $_tile_overlayer_lowered  }
0x9b: {  	s22 =	simm.s32 $0x1BFF;
	s21 =	sshll.u32 s5, $0x1;
	s2 =	sadd.s32 s19, s18  }
0x9c: {  	s6 =	simm.s32 $0x0;
	s20 =	sshll.u32 s4, $0x1;
	s4 =	sadd.s32 s21, s2  }
0x9d: {  	[timem:s6], [sflag:s22] =	dma.local [hbm:s4], s20  }
0x9e: {  	_ =	swait.ge [sflag:s22], s20  }
0x9f: {  	s3 =	ssub.s32 $0x0, s20;
	[sflag:s22] =	ssyncset.done $0x0  }
0xa0: {  	[sflag:s22] =	ssyncadd.s32 s3;
	_ =	sdelay $0x1  }
0xa1: {  	s23 =	simm.s32 $0x1B8B  }
0xa2: {  	_ =	swait.ge [sflag:s23], $0x1  }
0xa3: {  	[sflag:s23] =	ssyncset.done $0x0  }
0xa4: {  	s25 =	simm.s32 $0x1B8E;
	s24 =	sld [smem:$0x3FFE];
	[sflag:s23] =	ssyncadd.s32 $0xFFFFFFFF  }
0xa5: {  	s26 =	simm.s32 $execute0_lowered;
	[smem:$0x3FD2] =	sst s25  }
0xa6: {  	s4 =	sshll.u32 s26, $0x1;
	_ =	strace $0x80000046;
	[dreg:$0x1] =	wrdreg $0xFFFFFFFF  }
0xa7: {  	s28 =	simm.s32 $_size_execute0_lowered;
	s2 =	sadd.s32 s2, s4;
	[dreg:$0x0] =	wrdreg $0x0  }
0xa8: {  	s4 =	sshll.u32 s28, $0x1;
	[dreg:$0x2] =	wrdreg s2  }
0xa9: {  	[dreg:$0x3] =	wrdreg s4  }
0xaa: {  	[dreg:$0x4] =	wrdreg $0xC0  }
0xab: {  	_ =	task [dreg:s6], $0x5FFFF  }
0xac: {  	[dreg:$0x1] =	wrdreg $0xFFFFFFFF  }
0xad: {  	[dreg:$0x0] =	wrdreg $0x60  }
0xae: {  	[dreg:$0x2] =	wrdreg s24  }
0xaf: {  	[dreg:$0x3] =	wrdreg $0x80800  }
0xb0: {  	[dreg:$0x4] =	wrdreg $0x9  }
0xb1: {  	_ =	task.clear_ibuf [dreg:s6], $0x5FFFF;
	_ =	strace $0x90000046  }
0xb2: {  	s29 =	simm.s32 $0x9;
	_ =	strace $0x80000048  }
0xb3: {  	_ =	swait.ge [sflag:s29], $0x1  }
0xb4: {  	[sflag:s29] =	ssyncadd.s32 $0xFFFFFFFF  }
0xb5: {  	_ =	strace $0x90000048  }
0xb6: {  	_ =	sfence  }
0xb7: {  	s30 =	sld [smem:$0x0];
	_ =	sdelay $0x2  }
0xb8: {  	s31 =	sshll.u32 s1, $0xD;
	s1 =	sshrl.u32 s1, $0x2  }
0xb9: {  	s3 =	sand.u32 $0x4000, s31;
	s1 =	sadd.s32 s1, s30  }
0xba: {  	s0 =	sor.u32 s3, s0;
	s1 =	sshll.u32 s1, $0x11  }
0xbb: {  	s0 =	sor.u32 s1, s0  }
0xbc: {  	s0 =	sadd.s32 $0x8F2B, s0  }
0xbd: {  	[sflag:s0] =	ssyncadd.remote.s32 $0x1  }
0xbe: {  	_ =	sfence.sel $0xFFFF  }
0xbf: {  	[dreg:$0x0] =	wrdreg $0xFFFFFFFF;
	(pc) =	sbr.abs _section_cstart, $3  }
0xc0: {  	[dreg:$0x1] =	wrdreg $0xFFFFFFFF  }
0xc1: {  	_ =	task.clear_ibuf [dreg:s6], $0x2FFFF;
	_ =	strace $0x9FFFFFFF  }
0xc2: {  	(tm) =	ssettm $0x7FFFFFFF  }
0xc3: {  	_ =	shalt  }
tec
execute0_lowered:
.L_overlay_start_1:
0x0: {  	(tag) =	ssettag $0x1  }
0x1: {  	s5 =	rddreg [dreg:$0x0];
	s0 =	stileid.u32  }
0x2: {  	s1 =	srdreg.scid;
	s2 =	rddreg [dreg:$0x1]  }
0x3: {  	s3 =	simm.s32 $0x0;
	s15 =	simm.s32 $0x1;
	s4 =	smul.u32 $0xA00, s0  }
0x4: {  	s16 =	simm.s32 $0x4080;
	s19 =	simm.s32 $0x0;
	s8 =	smul.u32 $0x14000, s0  }
0x5: {  	s7 =	sand.u32 $0x1, s1;
	s1 =	rddreg [dreg:$0x2];
	s9 =	smul.u32 $0x50000, s0  }
0x6: {  	[smem:$0x7FF] =	sst s3;
	s17 =	sshll.u32 s0, $0x6;
	s6 =	smul.u32 $0x140000, s7  }
0x7: {  	_ =	strace $0x80000047;
	s30 =	ssub.s32 $0x2, s7;
	s14 =	smul.u32 $0x500, s7  }
0x8: {  	s17 =	sor.u32 $0x1C01, s17;
	s12 =	sadd.s32 s4, s5;
	s4 =	sadd.s32 $0xD200, s5  }
0x9: {  	s10 =	sshrl.u32 s30, $0x1;
	s31 =	sshrl.u32 s9, $0x2;
	s6 =	sadd.s32 s8, s6  }
0xa: {  	s13 =	ssub.s32 s30, s10;
	s14 =	sadd.s32 s14, s12;
	s6 =	sshrl.u32 s6, $0x3  }
0xb: {  	s12 =	smax.u32 s13, $0x1;
	s13 =	sadd.s32 $0x3200, s14;
	s14 =	simm.s32 $0x80  }
0xc: {  	s11 =	sadd.s32 s6, s5;
	s5 =	sadd.s32 $0xDA00, s5;
	s6 =	sadd.s32 s31, s2  }
0xd: {  	s7 =	sadd.s32 $0x4000, s6;
	s8 =	sadd.s32 $0x8000, s6;
	s9 =	sadd.s32 $0xC000, s6  }
0xe: {  	s10 =	sadd.s32 $0x10000, s6;
	s11 =	sadd.s32 $0xE200, s11;
	s18 =	sshrl.u32 s6, $0x3  }
.LBB2_1:
0xf: {  	[tilespmem:s14], [sflag:$0x1] =	stream.linear.gather [hbm4b:s4+s3], $0x4000, $0x38;
	[tilespmem:$0xA880] =	vst v63  }
0x10: {  	_ =	swait.ge [sflag:s15], $0x4000  }
0x11: {  	[sflag:s15] =	ssyncset.done $0x0  }
0x12: {  	[sflag:s15] =	ssyncadd.s32 $0xFFFFC000  }
0x13: {  	[tilespmem:s16], [sflag:$0x1] =	stream.linear.gather [hbm4b:s5+s3], $0x4000, $0x38;
	[tilespmem:$0xA880] =	vst v63  }
0x14: {  	_ =	swait.ge [sflag:s15], $0x4000  }
0x15: {  	[sflag:s15] =	ssyncset.done $0x0  }
0x16: {  	[sflag:s15] =	ssyncadd.s32 $0xFFFFC000  }
0x17: {  	[spmem:s6] =	stream.linear.scatter [tilespmem:s16], [sflag:$0x1], $0x4000, $0x38;
	[tilespmem:$0xA880] =	vst v63  }
0x18: {  	_ =	swait.ge [sflag:s15], $0x4000  }
0x19: {  	[sflag:s15] =	ssyncset.done $0x0  }
0x1a: {  	[sflag:s15] =	ssyncadd.s32 $0xFFFFC000  }
0x1b: {  	[spmem:s7] =	stream.linear.scatter [tilespmem:s16], [sflag:$0x1], $0x4000, $0x38;
	[tilespmem:$0xA880] =	vst v63  }
0x1c: {  	_ =	swait.ge [sflag:s15], $0x4000  }
0x1d: {  	[sflag:s15] =	ssyncset.done $0x0  }
0x1e: {  	[sflag:s15] =	ssyncadd.s32 $0xFFFFC000  }
0x1f: {  	[spmem:s8] =	stream.linear.scatter [tilespmem:s16], [sflag:$0x1], $0x4000, $0x38;
	[tilespmem:$0xA880] =	vst v63  }
0x20: {  	_ =	swait.ge [sflag:s15], $0x4000  }
0x21: {  	[sflag:s15] =	ssyncset.done $0x0  }
0x22: {  	[sflag:s15] =	ssyncadd.s32 $0xFFFFC000  }
0x23: {  	[spmem:s9] =	stream.linear.scatter [tilespmem:s16], [sflag:$0x1], $0x4000, $0x38;
	[tilespmem:$0xA880] =	vst v63  }
0x24: {  	_ =	swait.ge [sflag:s15], $0x4000  }
0x25: {  	[sflag:s15] =	ssyncset.done $0x0  }
0x26: {  	[sflag:s15] =	ssyncadd.s32 $0xFFFFC000  }
0x27: {  	[spmem:s10] =	stream.linear.scatter [tilespmem:s16], [sflag:$0x1], $0x4000, $0x38;
	[tilespmem:$0xA880] =	vst v63  }
0x28: {  	_ =	swait.ge [sflag:s15], $0x4000  }
0x29: {  	[sflag:s15] =	ssyncset.done $0x0  }
0x2a: {  	[sflag:s15] =	ssyncadd.s32 $0xFFFFC000  }
0x2b: {  	s20 =	sadd.s32 $0x0, s13;
	[bflag:$0x0] =	sbarrier.arrive $0xFFFF  }
0x2c: {  	[tilespmem:s3], [sflag:$0x1] =	stream.linear.gather [hbm4b:s20+s3], $0x80, $0x38;
	[tilespmem:$0xA880] =	vst v63  }
0x2d: {  	_ =	swait.ge [sflag:s15], $0x80  }
0x2e: {  	[sflag:s15] =	ssyncset.done $0x0  }
0x2f: {  	[sflag:s15] =	ssyncadd.s32 $0xFFFFFF80  }
0x30: {  	[spmem:s2] =	stream.indirect.scatter.add.f32 [tilespmem:s14], [sflag:$0x1], $0x10, s3, s14, $0xb8;
	[tilespmem:$0xA880] =	vst v63  }
0x31: {  	_ =	swait.ge [sflag:s15], $0x800  }
0x32: {  	s21 =	simm.s32 $0x20;
	s20 =	simm.s32 $0x10;
	[sflag:s15] =	ssyncset.done $0x0  }
.LBB2_2:
0x33: {  	s22 =	sadd.s32 s20, s13  }
0x34: {  	[sflag:s15] =	ssyncadd.s32 $0xFFFFF800;
	s20 =	smov.u32 s21;
	s23 =	sadd.s32 $0x10, s21  }
0x35: {  	[tilespmem:s3], [sflag:$0x1] =	stream.linear.gather [hbm4b:s22+s3], $0x80, $0x38;
	[tilespmem:$0xA880] =	vst v63  }
0x36: {  	p0 =	sne.s32 s21, $0x4F0;
	_ =	swait.ge [sflag:s15], $0x80  }
.Ltmp0:
0x37: {  	[sflag:s15] =	ssyncset.done $0x0;
	(pc) =	sbr.rel @p0 .LBB2_2-.Ltmp0, $4  }
0x38: {  	[sflag:s15] =	ssyncadd.s32 $0xFFFFFF80  }
0x39: {  	[spmem:s2] =	stream.indirect.scatter.add.f32 [tilespmem:s14], [sflag:$0x1], $0x10, s3, s14, $0xb8;
	[tilespmem:$0xA880] =	vst v63  }
0x3a: {  	_ =	swait.ge [sflag:s15], $0x800  }
0x3b: {  	s21 =	smov.u32 s23;
	[sflag:s15] =	ssyncset.done $0x0  }
0x3c: {  	s20 =	sadd.s32 s20, s13;
	[sflag:s15] =	ssyncadd.s32 $0xFFFFF800  }
0x3d: {  	[tilespmem:s3], [sflag:$0x1] =	stream.linear.gather [hbm4b:s20+s3], $0x80, $0x38;
	[tilespmem:$0xA880] =	vst v63  }
0x3e: {  	_ =	swait.ge [sflag:s15], $0x80  }
0x3f: {  	[sflag:s15] =	ssyncset.done $0x0  }
0x40: {  	[sflag:s15] =	ssyncadd.s32 $0xFFFFFF80  }
0x41: {  	[spmem:s2] =	stream.indirect.scatter.add.f32 [tilespmem:s14], [sflag:$0x1], $0x10, s3, s14, $0xb8;
	[tilespmem:$0xA880] =	vst v63  }
0x42: {  	_ =	swait.ge [sflag:s15], $0x800  }
0x43: {  	s19 =	sadd.s32 $0x1, s19;
	[sflag:s15] =	ssyncset.done $0x0  }
0x44: {  	p0 =	sne.s32 s19, s12;
	[sflag:s15] =	ssyncadd.s32 $0xFFFFF800  }
.Ltmp1:
0x45: {  	[bflag:$0x0] =	sbarrier.arrive $0xFFFF;
	(pc) =	sbr.rel @p0 .LBB2_1-.Ltmp1, $4  }
0x46: {  	[hbm:s11], [sflag:s17] =	dma.local [spmem:s18], $0x2800  }
0x47: {  	_ =	swait.ge [sflag:s15], $0x2800  }
0x48: {  	[sflag:s15] =	ssyncset.done $0x0  }
0x49: {  	[sflag:s15] =	ssyncadd.s32 $0xFFFFD800  }
0x4a: {  	_ =	sfence.sel $0x180000  }
0x4b: {  	[bflag:$0x0] =	sbarrier.arrive $0xFFFF  }
0x4c: {  	p0 =	sne.s32 s0, $0x0;
	_ =	strace $0x90000047  }
0x4d: {  	s0 =	sadd.s32 @!p0 $0x100000, s1;
	[bflag:$0x2] =	sbarrier.arrive $0xFFFF  }
0x4e: {  	[sflag:s0] =	ssyncadd.tile.s32 @!p0 $0x1;
	_ =	shalt  }
.Lfunc_end2:
_tile_overlayer_lowered:
.L_overlay_start_2:
0x4f: {  	(tag) =	ssettag $0x2  }
0x50: {  	s0 =	rddreg [dreg:$0x0];
	s2 =	stileid.u32  }
0x51: {  	s1 =	rddreg [dreg:$0x1];
	p0 =	sne.s32 s2, $0x0  }
0x52: {  	s3 =	rddreg [dreg:$0x2];
	[bflag:$0x3] =	sbarrier.arrive $0xFFFF;
	s2 =	simm.s32 @!p0 $0x1C01  }
0x53: {  	[timem:s3], [sflag:s2] =	dma.local @!p0 [hbm:s0], s1  }
0x54: {  	s0 =	simm.s32 @!p0 $0x1  }
0x55: {  	_ =	swait.ge @!p0 [sflag:s0], s1  }
0x56: {  	s1 =	ssub.s32 @!p0 $0x0, s1;
	[sflag:s0] =	ssyncset.done @!p0 $0x0  }
0x57: {  	[sflag:s0] =	ssyncadd.s32 @!p0 s1  }
0x58: {  	[bflag:$0x3] =	sbarrier.arrive $0xFFFF  }
0x59: {  	_ =	shalt  }

// kernel: kernel.13.cloned.1.call-start
scs
__scs_entry_jumppad:
0x0: {  	(pc) =	sbr.rel $0x88, $3  }
0x1: {  	(tag) =	ssettag $0x0;
	lr =	simm.s32 $0x1  }
0x2: {  	[smem:$0x3F96] =	sst lr;
	_ =	strace $0xD0000000  }
0x3: {  	_ = 	snop  }
0x4: {  	_ = 	snop  }
0x5: {  	_ = 	snop  }
0x6: {  	_ = 	snop  }
0x7: {  	_ = 	snop  }
__scs_overlays_trampoline_lowered:
0x8: {  	[smem:$0x3FA5] =	sst s0  }
0x9: {  	[smem:$0x3FA6] =	sst s1  }
0xa: {  	[smem:$0x3FA7] =	sst s2  }
0xb: {  	[smem:$0x3FA8] =	sst s3  }
0xc: {  	[smem:$0x3FA9] =	sst s4  }
0xd: {  	[smem:$0x3FAA] =	sst s5  }
0xe: {  	[smem:$0x3FAB] =	sst s6  }
0xf: {  	[smem:$0x3FAC] =	sst s7  }
0x10: {  	[smem:$0x3FAD] =	sst s8  }
0x11: {  	[smem:$0x3FAE] =	sst s9;
	s0 =	simm.s32 @!p0 $0x0  }
0x12: {  	s1 =	sld [smem:$0x3F94];
	s0 =	simm.s32 @p0 $0x1  }
0x13: {  	[smem:$0x3FAF] =	sst s0;
	s0 =	simm.s32 @!p1 $0x0  }
0x14: {  	s2 =	sld [smem:$0x3F93];
	s0 =	simm.s32 @p1 $0x1  }
0x15: {  	[smem:$0x3FB0] =	sst s0;
	s0 =	simm.s32 @!p2 $0x0  }
0x16: {  	s3 =	sld [smem:$0x3FDB];
	s0 =	simm.s32 @p2 $0x1  }
0x17: {  	s4 =	simm.s32 $0x1BF5;
	[smem:$0x3FB2] =	sst s0  }
0x18: {  	s0 =	sld [smem:$0x3F95];
	_ =	swait.ge [sflag:s4], $0x0  }
0x19: {  	s7 =	sld [smem:$0x3F96]  }
0x1a: {  	s8 =	sadd.s32 $0xFFFFE003, lr  }
0x1b: {  	s9 =	sadd.s32 $0xFFFFFEF7, lr;
	s5 =	simm.s32 $0xFFFFFFFF;
	p2 =	slt.u32 s8, $0xFFFFF086  }
0x1c: {  	p1 =	slt.u32 s9, $0xF7A;
	s5 =	simm.s32 @!p2 $0x0  }
0x1d: {  	s5 =	simm.s32 @p1 $0x1;
	p0 =	seq.s32 s7, s2  }
0x1e: {  	s7 =	smul.u32 @!p0 $0xF7A, s2;
	p2 =	seq.s32 @!p0 s5, $0x0  }
0x1f: {  	s9 =	smul.u32 $0xF7A, s1;
	s8 =	simm.s32 @!p0 $0x1BF5;
	p2 =	por !p2, p0  }
0x20: {  	[sflag:s8] =	ssyncset.s32 @!p0 $0xFFFFF086;
	s6 =	sadd.s32 @!p0 s3, s7;
	s7 =	simm.s32 @!p0 $0x108  }
0x21: {  	s3 =	sadd.s32 s3, s9;
	s6 =	sadd.s32 @!p0 $0x88, s6;
	s7 =	simm.s32 @p2 $0x1082  }
0x22: {  	[simem:s7], [sflag:s8] =	dma.local @!p0 [hbm:s6], $0xF7A  }
0x23: {  	s9 =	sor.u32 $0xD0000000, s2;
	s6 =	simm.s32 $0x108;
	_ =	swait.ge @!p0 [sflag:s8], $0x0  }
0x24: {  	s3 =	sadd.s32 $0x88, s3;
	s6 =	simm.s32 @!p1 $0x1082;
	[sflag:s4] =	ssyncset.s32 $0xFFFFF086  }
0x25: {  	[simem:s6], [sflag:s4] =	dma.local [hbm:s3], $0xF7A  }
0x26: {  	[smem:$0x3F96] =	sst s1;
	(tag) =	ssettag s2;
	_ =	strace s9  }
0x27: {  	s1 =	sld [smem:$0x3FA6]  }
0x28: {  	s2 =	sld [smem:$0x3FA7]  }
0x29: {  	s4 =	sld [smem:$0x3FA9]  }
0x2a: {  	p0 =	seq.s32 s5, $0x0;
	s5 =	sld [smem:$0x3FAA]  }
0x2b: {  	s6 =	sld [smem:$0x3FAB]  }
0x2c: {  	s7 =	sld [smem:$0x3FAC]  }
0x2d: {  	s3 =	simm.s32 $0x108;
	s8 =	sld [smem:$0x3FAD]  }
0x2e: {  	s3 =	simm.s32 @!p0 $0x1082;
	s9 =	sld [smem:$0x3FAE]  }
0x2f: {  	lr =	sadd.s32 s0, s3;
	s0 =	sld [smem:$0x3FA5]  }
0x30: {  	s3 =	sld [smem:$0x3FA8]  }
0x31: {  	[smem:$0x3FB1] =	sst s10  }
0x32: {  	s10 =	sld [smem:$0x3FAF];
	_ =	sdelay $0x3  }
0x33: {  	p0 =	seq.s32 s10, $0x1;
	s10 =	sld [smem:$0x3FB1];
	_ =	sdelay $0x3  }
0x34: {  	[smem:$0x3FB1] =	sst s10  }
0x35: {  	s10 =	sld [smem:$0x3FB0];
	_ =	sdelay $0x3  }
0x36: {  	p1 =	seq.s32 s10, $0x1;
	s10 =	sld [smem:$0x3FB1];
	_ =	sdelay $0x3  }
0x37: {  	[smem:$0x3FB1] =	sst s10  }
0x38: {  	s10 =	sld [smem:$0x3FB2]  }
0x39: {  	_ = 	snop;
	(pc) =	sbr.ind lr, $3  }
0x3a: {  	_ = 	snop  }
0x3b: {  	_ = 	snop  }
0x3c: {  	p2 =	seq.s32 s10, $0x1;
	s10 =	sld [smem:$0x3FB1]  }
0x3d: {  	_ =	shalt  }
0x3e: {  	_ =	shalt  }
0x3f: {  	_ =	shalt  }
0x40: {  	_ =	shalt  }
0x41: {  	_ =	shalt  }
0x42: {  	_ =	shalt  }
0x43: {  	_ =	shalt  }
0x44: {  	_ =	shalt  }
0x45: {  	_ =	shalt  }
0x46: {  	_ =	shalt  }
0x47: {  	_ =	shalt  }
0x48: {  	_ =	shalt  }
0x49: {  	_ =	shalt  }
0x4a: {  	_ =	shalt  }
0x4b: {  	_ =	shalt  }
0x4c: {  	_ =	shalt  }
0x4d: {  	_ =	shalt  }
0x4e: {  	_ =	shalt  }
0x4f: {  	_ =	shalt  }
0x50: {  	_ =	shalt  }
0x51: {  	_ =	shalt  }
0x52: {  	_ =	shalt  }
0x53: {  	_ =	shalt  }
0x54: {  	_ =	shalt  }
0x55: {  	_ =	shalt  }
0x56: {  	_ =	shalt  }
0x57: {  	_ =	shalt  }
0x58: {  	_ =	shalt  }
0x59: {  	_ =	shalt  }
0x5a: {  	_ =	shalt  }
0x5b: {  	_ =	shalt  }
0x5c: {  	_ =	shalt  }
0x5d: {  	_ =	shalt  }
0x5e: {  	_ =	shalt  }
0x5f: {  	_ =	shalt  }
0x60: {  	_ =	shalt  }
0x61: {  	_ =	shalt  }
0x62: {  	_ =	shalt  }
0x63: {  	_ =	shalt  }
0x64: {  	_ =	shalt  }
0x65: {  	_ =	shalt  }
0x66: {  	_ =	shalt  }
0x67: {  	_ =	shalt  }
0x68: {  	_ =	shalt  }
0x69: {  	_ =	shalt  }
0x6a: {  	_ =	shalt  }
0x6b: {  	_ =	shalt  }
0x6c: {  	_ =	shalt  }
0x6d: {  	_ =	shalt  }
0x6e: {  	_ =	shalt  }
0x6f: {  	_ =	shalt  }
0x70: {  	_ =	shalt  }
0x71: {  	_ =	shalt  }
0x72: {  	_ =	shalt  }
0x73: {  	_ =	shalt  }
0x74: {  	_ =	shalt  }
0x75: {  	_ =	shalt  }
0x76: {  	_ =	shalt  }
0x77: {  	_ =	shalt  }
0x78: {  	_ =	shalt  }
0x79: {  	_ =	shalt  }
0x7a: {  	_ =	shalt  }
0x7b: {  	_ =	shalt  }
0x7c: {  	_ =	shalt  }
0x7d: {  	_ =	shalt  }
0x7e: {  	_ =	shalt  }
0x7f: {  	_ =	shalt  }
0x80: {  	_ =	shalt  }
0x81: {  	_ =	shalt  }
0x82: {  	_ =	shalt  }
0x83: {  	_ =	shalt  }
0x84: {  	_ =	shalt  }
0x85: {  	_ =	shalt  }
0x86: {  	_ =	shalt  }
0x87: {  	_ =	shalt  }
.Lfunc_end0:
.L_simem_size_0:
called_computation.1_lowered:
.L_overlay_start_0:
0x88: {  	s2 =	sld [smem:$0x3FD9]  }
0x89: {  	s3 =	sld [smem:$0x3FFE];
	_ =	sdelay $0x1  }
0x8a: {  	s1 =	srdreg.scid  }
0x8b: {  	s0 =	sand.u32 $0x1, s1  }
0x8c: {  	s16 =	sshll.u32 s0, $0xA;
	s2 =	sadd.s32 s3, s2  }
0x8d: {  	s2 =	sadd.s32 s2, s16  }
0x8e: {  	[smem:$0x3FBD] =	sst s2  }
0x8f: {  	_ = 	snop  }
0x90: {  	(tm) =	ssettm $0x1  }
0x91: {  	s17 =	sld [smem:$0x3FFB];
	_ =	sdelay $0x3  }
0x92: {  	_ =	strace s17  }
0x93: {  	s2 =	sld [smem:$0x3FFC];
	_ =	sdelay $0x3  }
0x94: {  	_ =	strace s2  }
0x95: {  	s2 =	sld [smem:$0x3FFD];
	_ =	sdelay $0x3  }
0x96: {  	_ =	strace s2  }
0x97: {  	_ =	strace $0x8FFFFFFF  }
0x98: {  	s18 =	sld [smem:$0x3FDB];
	_ =	sdelay $0x1  }
0x99: {  	s19 =	simm.s32 $_scs_section_size  }
0x9a: {  	s4 =	simm.s32 $_size__tile_overlayer_lowered;
	s5 =	simm.s32 $_tile_overlayer_lowered  }
0x9b: {  	s22 =	simm.s32 $0x1BFF;
	s21 =	sshll.u32 s5, $0x1;
	s2 =	sadd.s32 s19, s18  }
0x9c: {  	s6 =	simm.s32 $0x0;
	s20 =	sshll.u32 s4, $0x1;
	s4 =	sadd.s32 s21, s2  }
0x9d: {  	[timem:s6], [sflag:s22] =	dma.local [hbm:s4], s20  }
0x9e: {  	_ =	swait.ge [sflag:s22], s20  }
0x9f: {  	s3 =	ssub.s32 $0x0, s20;
	[sflag:s22] =	ssyncset.done $0x0  }
0xa0: {  	[sflag:s22] =	ssyncadd.s32 s3;
	_ =	sdelay $0x1  }
0xa1: {  	s23 =	simm.s32 $0x1B8B  }
0xa2: {  	_ =	swait.ge [sflag:s23], $0x1  }
0xa3: {  	[sflag:s23] =	ssyncset.done $0x0  }
0xa4: {  	s25 =	simm.s32 $0x1B8E;
	s24 =	sld [smem:$0x3FFE];
	[sflag:s23] =	ssyncadd.s32 $0xFFFFFFFF  }
0xa5: {  	s26 =	simm.s32 $execute0_lowered;
	[smem:$0x3FD2] =	sst s25  }
0xa6: {  	s4 =	sshll.u32 s26, $0x1;
	_ =	strace $0x80000049;
	[dreg:$0x1] =	wrdreg $0xFFFFFFFF  }
0xa7: {  	s28 =	simm.s32 $_size_execute0_lowered;
	s2 =	sadd.s32 s2, s4;
	[dreg:$0x0] =	wrdreg $0x0  }
0xa8: {  	s4 =	sshll.u32 s28, $0x1;
	[dreg:$0x2] =	wrdreg s2  }
0xa9: {  	[dreg:$0x3] =	wrdreg s4  }
0xaa: {  	[dreg:$0x4] =	wrdreg $0xC0  }
0xab: {  	_ =	task [dreg:s6], $0x5FFFF  }
0xac: {  	[dreg:$0x1] =	wrdreg $0xFFFFFFFF  }
0xad: {  	[dreg:$0x0] =	wrdreg $0x60  }
0xae: {  	[dreg:$0x2] =	wrdreg s24  }
0xaf: {  	[dreg:$0x3] =	wrdreg $0x41000  }
0xb0: {  	[dreg:$0x4] =	wrdreg $0x9  }
0xb1: {  	_ =	task.clear_ibuf [dreg:s6], $0x5FFFF;
	_ =	strace $0x90000049  }
0xb2: {  	s29 =	simm.s32 $0x9;
	_ =	strace $0x8000004B  }
0xb3: {  	_ =	swait.ge [sflag:s29], $0x1  }
0xb4: {  	[sflag:s29] =	ssyncadd.s32 $0xFFFFFFFF  }
0xb5: {  	_ =	strace $0x9000004B  }
0xb6: {  	_ =	sfence  }
0xb7: {  	s30 =	sld [smem:$0x0];
	_ =	sdelay $0x2  }
0xb8: {  	s31 =	sshll.u32 s1, $0xD;
	s1 =	sshrl.u32 s1, $0x2  }
0xb9: {  	s3 =	sand.u32 $0x4000, s31;
	s1 =	sadd.s32 s1, s30  }
0xba: {  	s0 =	sor.u32 s3, s0;
	s1 =	sshll.u32 s1, $0x11  }
0xbb: {  	s0 =	sor.u32 s1, s0  }
0xbc: {  	s0 =	sadd.s32 $0x8F2B, s0  }
0xbd: {  	[sflag:s0] =	ssyncadd.remote.s32 $0x1  }
0xbe: {  	_ =	sfence.sel $0xFFFF  }
0xbf: {  	[dreg:$0x0] =	wrdreg $0xFFFFFFFF;
	(pc) =	sbr.abs _section_cstart, $3  }
0xc0: {  	[dreg:$0x1] =	wrdreg $0xFFFFFFFF  }
0xc1: {  	_ =	task.clear_ibuf [dreg:s6], $0x2FFFF;
	_ =	strace $0x9FFFFFFF  }
0xc2: {  	(tm) =	ssettm $0x7FFFFFFF  }
0xc3: {  	_ =	shalt  }
tec
execute0_lowered:
.L_overlay_start_1:
0x0: {  	(tag) =	ssettag $0x1  }
0x1: {  	s6 =	rddreg [dreg:$0x0]  }
0x2: {  	s1 =	rddreg [dreg:$0x1];
	s2 =	srdreg.scid  }
0x3: {  	s0 =	rddreg [dreg:$0x2];
	s3 =	simm.s32 $0x0;
	s7 =	sand.u32 $0x1, s2  }
0x4: {  	s16 =	simm.s32 $0x2;
	s2 =	stileid.u32;
	s5 =	smul.u32 $0x140000, s7  }
0x5: {  	s17 =	simm.s32 $0x80;
	s18 =	simm.s32 $0x1;
	s8 =	smul.u32 $0x14000, s2  }
0x6: {  	s21 =	simm.s32 $0x0;
	[smem:$0x7FF] =	sst s3;
	s9 =	smul.u32 $0xA00, s2  }
0x7: {  	s4 =	sadd.s32 $0x68200, s6;
	_ =	strace $0x8000004A;
	s10 =	smul.u32 $0x50000, s2  }
0x8: {  	s29 =	ssub.s32 $0x2, s7;
	s13 =	smul.u32 $0x500, s7;
	s19 =	sshll.u32 s2, $0x6  }
0x9: {  	s31 =	sshrl.u32 s29, $0x1;
	s19 =	sor.u32 $0x1C02, s19;
	s8 =	sadd.s32 s8, s5  }
0xa: {  	s11 =	sadd.s32 s9, s6;
	s5 =	sadd.s32 $0xD200, s6;
	s30 =	sshrl.u32 s10, $0x2  }
0xb: {  	s14 =	ssub.s32 s29, s31;
	s8 =	sshrl.u32 s8, $0x3;
	s15 =	sadd.s32 s13, s11  }
0xc: {  	s12 =	sadd.s32 s8, s6;
	s6 =	sadd.s32 s30, s1;
	s13 =	sadd.s32 $0x3200, s15  }
0xd: {  	s7 =	sadd.s32 $0x4000, s6;
	s8 =	sadd.s32 $0x8000, s6;
	s9 =	sadd.s32 $0xC000, s6  }
0xe: {  	s10 =	sadd.s32 $0x10000, s6;
	s11 =	sadd.s32 $0x90200, s12;
	s12 =	smax.u32 s14, $0x1  }
0xf: {  	s14 =	sadd.s32 $0x5E200, s15;
	s15 =	simm.s32 $0x100;
	s20 =	sshrl.u32 s6, $0x3  }
.LBB2_1:
0x10: {  	[tilespmem:s15], [sflag:$0x2] =	stream.linear.gather [hbm4b:s5+s3], $0x4000, $0x38;
	[tilespmem:$0x18100] =	vst v63  }
0x11: {  	_ =	swait.ge [sflag:s16], $0x4000  }
0x12: {  	[sflag:s16] =	ssyncset.done $0x0  }
0x13: {  	[sflag:s16] =	ssyncadd.s32 $0xFFFFC000  }
0x14: {  	[spmem:s6] =	stream.linear.scatter [tilespmem:s15], [sflag:$0x2], $0x4000, $0x38;
	[tilespmem:$0x18100] =	vst v63  }
0x15: {  	_ =	swait.ge [sflag:s16], $0x4000  }
0x16: {  	[sflag:s16] =	ssyncset.done $0x0  }
0x17: {  	[sflag:s16] =	ssyncadd.s32 $0xFFFFC000  }
0x18: {  	[spmem:s7] =	stream.linear.scatter [tilespmem:s15], [sflag:$0x2], $0x4000, $0x38;
	[tilespmem:$0x18100] =	vst v63  }
0x19: {  	_ =	swait.ge [sflag:s16], $0x4000  }
0x1a: {  	[sflag:s16] =	ssyncset.done $0x0  }
0x1b: {  	[sflag:s16] =	ssyncadd.s32 $0xFFFFC000  }
0x1c: {  	[spmem:s8] =	stream.linear.scatter [tilespmem:s15], [sflag:$0x2], $0x4000, $0x38;
	[tilespmem:$0x18100] =	vst v63  }
0x1d: {  	_ =	swait.ge [sflag:s16], $0x4000  }
0x1e: {  	[sflag:s16] =	ssyncset.done $0x0  }
0x1f: {  	[sflag:s16] =	ssyncadd.s32 $0xFFFFC000  }
0x20: {  	[spmem:s9] =	stream.linear.scatter [tilespmem:s15], [sflag:$0x2], $0x4000, $0x38;
	[tilespmem:$0x18100] =	vst v63  }
0x21: {  	_ =	swait.ge [sflag:s16], $0x4000  }
0x22: {  	[sflag:s16] =	ssyncset.done $0x0  }
0x23: {  	[sflag:s16] =	ssyncadd.s32 $0xFFFFC000  }
0x24: {  	[spmem:s10] =	stream.linear.scatter [tilespmem:s15], [sflag:$0x2], $0x4000, $0x38;
	[tilespmem:$0x18100] =	vst v63  }
0x25: {  	_ =	swait.ge [sflag:s16], $0x4000  }
0x26: {  	[sflag:s16] =	ssyncset.done $0x0  }
0x27: {  	[sflag:s16] =	ssyncadd.s32 $0xFFFFC000  }
0x28: {  	s22 =	sadd.s32 $0x0, s14;
	[bflag:$0x0] =	sbarrier.arrive $0xFFFF  }
0x29: {  	[tilespmem:s3], [sflag:$0x2] =	stream.linear.gather [hbm4b:s22+s3], $0x80, $0x38;
	[tilespmem:$0x18100] =	vst v63  }
0x2a: {  	_ =	swait.ge [sflag:s16], $0x80  }
0x2b: {  	[sflag:s16] =	ssyncset.done $0x0  }
0x2c: {  	s31 =	sadd.s32 $0x0, s13;
	[sflag:s16] =	ssyncadd.s32 $0xFFFFFF80  }
0x2d: {  	[tilespmem:s17], [sflag:$0x2] =	stream.linear.gather [hbm4b:s31+s3], $0x80, $0x38;
	[tilespmem:$0x18100] =	vst v63  }
0x2e: {  	_ =	swait.ge [sflag:s16], $0x80  }
0x2f: {  	[sflag:s16] =	ssyncset.done $0x0  }
0x30: {  	[sflag:s16] =	ssyncadd.s32 $0xFFFFFF80  }
0x31: {  	[tilespmem:s15], [sflag:$0x1] =	stream.indirect.gather [hbm4b:s4+s17], $0x80, s3, s17, $0xb8;
	[tilespmem:$0x18100] =	vst v63  }
0x32: {  	_ =	swait.ge [sflag:s18], $0x4000  }
0x33: {  	[sflag:s18] =	ssyncset.done $0x0  }
0x34: {  	[sflag:s18] =	ssyncadd.s32 $0xFFFFC000  }
0x35: {  	[spmem:s1] =	stream.indirect.scatter.add.f32 [tilespmem:s15], [sflag:$0x2], $0x80, s17, s17, $0xb8;
	[tilespmem:$0x18100] =	vst v63  }
0x36: {  	_ =	swait.ge [sflag:s16], $0x4000  }
0x37: {  	s23 =	simm.s32 $0x20;
	s22 =	simm.s32 $0x10;
	[sflag:s16] =	ssyncset.done $0x0  }
.LBB2_2:
0x38: {  	s24 =	sadd.s32 s22, s14  }
0x39: {  	[sflag:s16] =	ssyncadd.s32 $0xFFFFC000;
	s25 =	smov.u32 s23;
	s26 =	sadd.s32 $0x10, s23  }
0x3a: {  	[tilespmem:s3], [sflag:$0x2] =	stream.linear.gather [hbm4b:s24+s3], $0x80, $0x38;
	[tilespmem:$0x18100] =	vst v63  }
0x3b: {  	p0 =	sne.s32 s23, $0x4F0;
	_ =	swait.ge [sflag:s16], $0x80  }
0x3c: {  	[sflag:s16] =	ssyncset.done $0x0  }
0x3d: {  	s23 =	sadd.s32 s22, s13;
	s22 =	smov.u32 s25;
	[sflag:s16] =	ssyncadd.s32 $0xFFFFFF80  }
0x3e: {  	[tilespmem:s17], [sflag:$0x2] =	stream.linear.gather [hbm4b:s23+s3], $0x80, $0x38;
	[tilespmem:$0x18100] =	vst v63  }
0x3f: {  	_ =	swait.ge [sflag:s16], $0x80  }
0x40: {  	[sflag:s16] =	ssyncset.done $0x0  }
0x41: {  	[sflag:s16] =	ssyncadd.s32 $0xFFFFFF80  }
0x42: {  	[tilespmem:s15], [sflag:$0x1] =	stream.indirect.gather [hbm4b:s4+s17], $0x80, s3, s17, $0xb8;
	[tilespmem:$0x18100] =	vst v63  }
0x43: {  	_ =	swait.ge [sflag:s18], $0x4000  }
.Ltmp0:
0x44: {  	[sflag:s18] =	ssyncset.done $0x0;
	(pc) =	sbr.rel @p0 .LBB2_2-.Ltmp0, $4  }
0x45: {  	[sflag:s18] =	ssyncadd.s32 $0xFFFFC000  }
0x46: {  	[spmem:s1] =	stream.indirect.scatter.add.f32 [tilespmem:s15], [sflag:$0x2], $0x80, s17, s17, $0xb8;
	[tilespmem:$0x18100] =	vst v63  }
0x47: {  	_ =	swait.ge [sflag:s16], $0x4000  }
0x48: {  	s23 =	smov.u32 s26;
	[sflag:s16] =	ssyncset.done $0x0  }
0x49: {  	s23 =	sadd.s32 s22, s14;
	[sflag:s16] =	ssyncadd.s32 $0xFFFFC000  }
0x4a: {  	[tilespmem:s3], [sflag:$0x2] =	stream.linear.gather [hbm4b:s23+s3], $0x80, $0x38;
	[tilespmem:$0x18100] =	vst v63  }
0x4b: {  	_ =	swait.ge [sflag:s16], $0x80  }
0x4c: {  	[sflag:s16] =	ssyncset.done $0x0  }
0x4d: {  	s31 =	sadd.s32 s22, s13;
	[sflag:s16] =	ssyncadd.s32 $0xFFFFFF80  }
0x4e: {  	[tilespmem:s17], [sflag:$0x2] =	stream.linear.gather [hbm4b:s31+s3], $0x80, $0x38;
	[tilespmem:$0x18100] =	vst v63  }
0x4f: {  	_ =	swait.ge [sflag:s16], $0x80  }
0x50: {  	[sflag:s16] =	ssyncset.done $0x0  }
0x51: {  	[sflag:s16] =	ssyncadd.s32 $0xFFFFFF80  }
0x52: {  	[tilespmem:s15], [sflag:$0x1] =	stream.indirect.gather [hbm4b:s4+s17], $0x80, s3, s17, $0xb8;
	[tilespmem:$0x18100] =	vst v63  }
0x53: {  	_ =	swait.ge [sflag:s18], $0x4000  }
0x54: {  	[sflag:s18] =	ssyncset.done $0x0  }
0x55: {  	[sflag:s18] =	ssyncadd.s32 $0xFFFFC000  }
0x56: {  	[spmem:s1] =	stream.indirect.scatter.add.f32 [tilespmem:s15], [sflag:$0x2], $0x80, s17, s17, $0xb8;
	[tilespmem:$0x18100] =	vst v63  }
0x57: {  	_ =	swait.ge [sflag:s16], $0x4000  }
0x58: {  	s21 =	sadd.s32 $0x1, s21;
	[sflag:s16] =	ssyncset.done $0x0  }
0x59: {  	p0 =	sne.s32 s21, s12;
	[sflag:s16] =	ssyncadd.s32 $0xFFFFC000  }
.Ltmp1:
0x5a: {  	[bflag:$0x0] =	sbarrier.arrive $0xFFFF;
	(pc) =	sbr.rel @p0 .LBB2_1-.Ltmp1, $4  }
0x5b: {  	[hbm:s11], [sflag:s19] =	dma.local [spmem:s20], $0x2800  }
0x5c: {  	_ =	swait.ge [sflag:s16], $0x2800  }
0x5d: {  	[sflag:s16] =	ssyncset.done $0x0  }
0x5e: {  	[sflag:s16] =	ssyncadd.s32 $0xFFFFD800  }
0x5f: {  	_ =	sfence.sel $0x180000  }
0x60: {  	[bflag:$0x0] =	sbarrier.arrive $0xFFFF  }
0x61: {  	p0 =	sne.s32 s2, $0x0;
	_ =	strace $0x9000004A  }
0x62: {  	s0 =	sadd.s32 @!p0 $0x100000, s0;
	[bflag:$0x2] =	sbarrier.arrive $0xFFFF  }
0x63: {  	[sflag:s0] =	ssyncadd.tile.s32 @!p0 $0x1;
	_ =	shalt  }
.Lfunc_end2:
_tile_overlayer_lowered:
.L_overlay_start_2:
0x64: {  	(tag) =	ssettag $0x2  }
0x65: {  	s0 =	rddreg [dreg:$0x0];
	s2 =	stileid.u32  }
0x66: {  	s1 =	rddreg [dreg:$0x1];
	p0 =	sne.s32 s2, $0x0  }
0x67: {  	s3 =	rddreg [dreg:$0x2];
	[bflag:$0x3] =	sbarrier.arrive $0xFFFF;
	s2 =	simm.s32 @!p0 $0x1C02  }
0x68: {  	[timem:s3], [sflag:s2] =	dma.local @!p0 [hbm:s0], s1  }
0x69: {  	s0 =	simm.s32 @!p0 $0x2  }
0x6a: {  	_ =	swait.ge @!p0 [sflag:s0], s1  }
0x6b: {  	s1 =	ssub.s32 @!p0 $0x0, s1;
	[sflag:s0] =	ssyncset.done @!p0 $0x0  }
0x6c: {  	[sflag:s0] =	ssyncadd.s32 @!p0 s1  }
0x6d: {  	[bflag:$0x3] =	sbarrier.arrive $0xFFFF  }
0x6e: {  	_ =	shalt  }

// kernel: kernel.16.cloned.1.call-start
scs
__scs_entry_jumppad:
0x0: {  	(pc) =	sbr.rel $0x88, $3  }
0x1: {  	(tag) =	ssettag $0x0;
	lr =	simm.s32 $0x1  }
0x2: {  	[smem:$0x3F96] =	sst lr;
	_ =	strace $0xD0000000  }
0x3: {  	_ = 	snop  }
0x4: {  	_ = 	snop  }
0x5: {  	_ = 	snop  }
0x6: {  	_ = 	snop  }
0x7: {  	_ = 	snop  }
__scs_overlays_trampoline_lowered:
0x8: {  	[smem:$0x3FA5] =	sst s0  }
0x9: {  	[smem:$0x3FA6] =	sst s1  }
0xa: {  	[smem:$0x3FA7] =	sst s2  }
0xb: {  	[smem:$0x3FA8] =	sst s3  }
0xc: {  	[smem:$0x3FA9] =	sst s4  }
0xd: {  	[smem:$0x3FAA] =	sst s5  }
0xe: {  	[smem:$0x3FAB] =	sst s6  }
0xf: {  	[smem:$0x3FAC] =	sst s7  }
0x10: {  	[smem:$0x3FAD] =	sst s8  }
0x11: {  	[smem:$0x3FAE] =	sst s9;
	s0 =	simm.s32 @!p0 $0x0  }
0x12: {  	s1 =	sld [smem:$0x3F94];
	s0 =	simm.s32 @p0 $0x1  }
0x13: {  	[smem:$0x3FAF] =	sst s0;
	s0 =	simm.s32 @!p1 $0x0  }
0x14: {  	s2 =	sld [smem:$0x3F93];
	s0 =	simm.s32 @p1 $0x1  }
0x15: {  	[smem:$0x3FB0] =	sst s0;
	s0 =	simm.s32 @!p2 $0x0  }
0x16: {  	s3 =	sld [smem:$0x3FDB];
	s0 =	simm.s32 @p2 $0x1  }
0x17: {  	s4 =	simm.s32 $0x1BF5;
	[smem:$0x3FB2] =	sst s0  }
0x18: {  	s0 =	sld [smem:$0x3F95];
	_ =	swait.ge [sflag:s4], $0x0  }
0x19: {  	s7 =	sld [smem:$0x3F96]  }
0x1a: {  	s8 =	sadd.s32 $0xFFFFE003, lr  }
0x1b: {  	s9 =	sadd.s32 $0xFFFFFEF7, lr;
	s5 =	simm.s32 $0xFFFFFFFF;
	p2 =	slt.u32 s8, $0xFFFFF086  }
0x1c: {  	p1 =	slt.u32 s9, $0xF7A;
	s5 =	simm.s32 @!p2 $0x0  }
0x1d: {  	s5 =	simm.s32 @p1 $0x1;
	p0 =	seq.s32 s7, s2  }
0x1e: {  	s7 =	smul.u32 @!p0 $0xF7A, s2;
	p2 =	seq.s32 @!p0 s5, $0x0  }
0x1f: {  	s9 =	smul.u32 $0xF7A, s1;
	s8 =	simm.s32 @!p0 $0x1BF5;
	p2 =	por !p2, p0  }
0x20: {  	[sflag:s8] =	ssyncset.s32 @!p0 $0xFFFFF086;
	s6 =	sadd.s32 @!p0 s3, s7;
	s7 =	simm.s32 @!p0 $0x108  }
0x21: {  	s3 =	sadd.s32 s3, s9;
	s6 =	sadd.s32 @!p0 $0x88, s6;
	s7 =	simm.s32 @p2 $0x1082  }
0x22: {  	[simem:s7], [sflag:s8] =	dma.local @!p0 [hbm:s6], $0xF7A  }
0x23: {  	s9 =	sor.u32 $0xD0000000, s2;
	s6 =	simm.s32 $0x108;
	_ =	swait.ge @!p0 [sflag:s8], $0x0  }
0x24: {  	s3 =	sadd.s32 $0x88, s3;
	s6 =	simm.s32 @!p1 $0x1082;
	[sflag:s4] =	ssyncset.s32 $0xFFFFF086  }
0x25: {  	[simem:s6], [sflag:s4] =	dma.local [hbm:s3], $0xF7A  }
0x26: {  	[smem:$0x3F96] =	sst s1;
	(tag) =	ssettag s2;
	_ =	strace s9  }
0x27: {  	s1 =	sld [smem:$0x3FA6]  }
0x28: {  	s2 =	sld [smem:$0x3FA7]  }
0x29: {  	s4 =	sld [smem:$0x3FA9]  }
0x2a: {  	p0 =	seq.s32 s5, $0x0;
	s5 =	sld [smem:$0x3FAA]  }
0x2b: {  	s6 =	sld [smem:$0x3FAB]  }
0x2c: {  	s7 =	sld [smem:$0x3FAC]  }
0x2d: {  	s3 =	simm.s32 $0x108;
	s8 =	sld [smem:$0x3FAD]  }
0x2e: {  	s3 =	simm.s32 @!p0 $0x1082;
	s9 =	sld [smem:$0x3FAE]  }
0x2f: {  	lr =	sadd.s32 s0, s3;
	s0 =	sld [smem:$0x3FA5]  }
0x30: {  	s3 =	sld [smem:$0x3FA8]  }
0x31: {  	[smem:$0x3FB1] =	sst s10  }
0x32: {  	s10 =	sld [smem:$0x3FAF];
	_ =	sdelay $0x3  }
0x33: {  	p0 =	seq.s32 s10, $0x1;
	s10 =	sld [smem:$0x3FB1];
	_ =	sdelay $0x3  }
0x34: {  	[smem:$0x3FB1] =	sst s10  }
0x35: {  	s10 =	sld [smem:$0x3FB0];
	_ =	sdelay $0x3  }
0x36: {  	p1 =	seq.s32 s10, $0x1;
	s10 =	sld [smem:$0x3FB1];
	_ =	sdelay $0x3  }
0x37: {  	[smem:$0x3FB1] =	sst s10  }
0x38: {  	s10 =	sld [smem:$0x3FB2]  }
0x39: {  	_ = 	snop;
	(pc) =	sbr.ind lr, $3  }
0x3a: {  	_ = 	snop  }
0x3b: {  	_ = 	snop  }
0x3c: {  	p2 =	seq.s32 s10, $0x1;
	s10 =	sld [smem:$0x3FB1]  }
0x3d: {  	_ =	shalt  }
0x3e: {  	_ =	shalt  }
0x3f: {  	_ =	shalt  }
0x40: {  	_ =	shalt  }
0x41: {  	_ =	shalt  }
0x42: {  	_ =	shalt  }
0x43: {  	_ =	shalt  }
0x44: {  	_ =	shalt  }
0x45: {  	_ =	shalt  }
0x46: {  	_ =	shalt  }
0x47: {  	_ =	shalt  }
0x48: {  	_ =	shalt  }
0x49: {  	_ =	shalt  }
0x4a: {  	_ =	shalt  }
0x4b: {  	_ =	shalt  }
0x4c: {  	_ =	shalt  }
0x4d: {  	_ =	shalt  }
0x4e: {  	_ =	shalt  }
0x4f: {  	_ =	shalt  }
0x50: {  	_ =	shalt  }
0x51: {  	_ =	shalt  }
0x52: {  	_ =	shalt  }
0x53: {  	_ =	shalt  }
0x54: {  	_ =	shalt  }
0x55: {  	_ =	shalt  }
0x56: {  	_ =	shalt  }
0x57: {  	_ =	shalt  }
0x58: {  	_ =	shalt  }
0x59: {  	_ =	shalt  }
0x5a: {  	_ =	shalt  }
0x5b: {  	_ =	shalt  }
0x5c: {  	_ =	shalt  }
0x5d: {  	_ =	shalt  }
0x5e: {  	_ =	shalt  }
0x5f: {  	_ =	shalt  }
0x60: {  	_ =	shalt  }
0x61: {  	_ =	shalt  }
0x62: {  	_ =	shalt  }
0x63: {  	_ =	shalt  }
0x64: {  	_ =	shalt  }
0x65: {  	_ =	shalt  }
0x66: {  	_ =	shalt  }
0x67: {  	_ =	shalt  }
0x68: {  	_ =	shalt  }
0x69: {  	_ =	shalt  }
0x6a: {  	_ =	shalt  }
0x6b: {  	_ =	shalt  }
0x6c: {  	_ =	shalt  }
0x6d: {  	_ =	shalt  }
0x6e: {  	_ =	shalt  }
0x6f: {  	_ =	shalt  }
0x70: {  	_ =	shalt  }
0x71: {  	_ =	shalt  }
0x72: {  	_ =	shalt  }
0x73: {  	_ =	shalt  }
0x74: {  	_ =	shalt  }
0x75: {  	_ =	shalt  }
0x76: {  	_ =	shalt  }
0x77: {  	_ =	shalt  }
0x78: {  	_ =	shalt  }
0x79: {  	_ =	shalt  }
0x7a: {  	_ =	shalt  }
0x7b: {  	_ =	shalt  }
0x7c: {  	_ =	shalt  }
0x7d: {  	_ =	shalt  }
0x7e: {  	_ =	shalt  }
0x7f: {  	_ =	shalt  }
0x80: {  	_ =	shalt  }
0x81: {  	_ =	shalt  }
0x82: {  	_ =	shalt  }
0x83: {  	_ =	shalt  }
0x84: {  	_ =	shalt  }
0x85: {  	_ =	shalt  }
0x86: {  	_ =	shalt  }
0x87: {  	_ =	shalt  }
.Lfunc_end0:
.L_simem_size_0:
called_computation.2_lowered:
.L_overlay_start_0:
0x88: {  	s2 =	sld [smem:$0x3FD9]  }
0x89: {  	s3 =	sld [smem:$0x3FFE];
	_ =	sdelay $0x1  }
0x8a: {  	s1 =	srdreg.scid  }
0x8b: {  	s0 =	sand.u32 $0x1, s1  }
0x8c: {  	s16 =	sshll.u32 s0, $0xA;
	s2 =	sadd.s32 s3, s2  }
0x8d: {  	s2 =	sadd.s32 s2, s16  }
0x8e: {  	[smem:$0x3FBD] =	sst s2  }
0x8f: {  	_ = 	snop  }
0x90: {  	(tm) =	ssettm $0x1  }
0x91: {  	s17 =	sld [smem:$0x3FFB];
	_ =	sdelay $0x3  }
0x92: {  	_ =	strace s17  }
0x93: {  	s2 =	sld [smem:$0x3FFC];
	_ =	sdelay $0x3  }
0x94: {  	_ =	strace s2  }
0x95: {  	s2 =	sld [smem:$0x3FFD];
	_ =	sdelay $0x3  }
0x96: {  	_ =	strace s2  }
0x97: {  	_ =	strace $0x8FFFFFFF  }
0x98: {  	s18 =	sld [smem:$0x3FDB];
	_ =	sdelay $0x1  }
0x99: {  	s19 =	simm.s32 $_scs_section_size  }
0x9a: {  	s4 =	simm.s32 $_size__tile_overlayer_lowered;
	s5 =	simm.s32 $_tile_overlayer_lowered  }
0x9b: {  	s22 =	simm.s32 $0x1BFF;
	s21 =	sshll.u32 s5, $0x1;
	s2 =	sadd.s32 s19, s18  }
0x9c: {  	s6 =	simm.s32 $0x0;
	s20 =	sshll.u32 s4, $0x1;
	s4 =	sadd.s32 s21, s2  }
0x9d: {  	[timem:s6], [sflag:s22] =	dma.local [hbm:s4], s20  }
0x9e: {  	_ =	swait.ge [sflag:s22], s20  }
0x9f: {  	s3 =	ssub.s32 $0x0, s20;
	[sflag:s22] =	ssyncset.done $0x0  }
0xa0: {  	[sflag:s22] =	ssyncadd.s32 s3;
	_ =	sdelay $0x1  }
0xa1: {  	s23 =	simm.s32 $0x1B8B  }
0xa2: {  	_ =	swait.ge [sflag:s23], $0x1  }
0xa3: {  	[sflag:s23] =	ssyncset.done $0x0  }
0xa4: {  	s25 =	simm.s32 $0x1B8E;
	s24 =	sld [smem:$0x3FFE];
	[sflag:s23] =	ssyncadd.s32 $0xFFFFFFFF  }
0xa5: {  	s26 =	simm.s32 $execute0_lowered;
	[smem:$0x3FD2] =	sst s25  }
0xa6: {  	s4 =	sshll.u32 s26, $0x1;
	_ =	strace $0x8000004C;
	[dreg:$0x1] =	wrdreg $0xFFFFFFFF  }
0xa7: {  	s28 =	simm.s32 $_size_execute0_lowered;
	s2 =	sadd.s32 s2, s4;
	[dreg:$0x0] =	wrdreg $0x0  }
0xa8: {  	s4 =	sshll.u32 s28, $0x1;
	[dreg:$0x2] =	wrdreg s2  }
0xa9: {  	[dreg:$0x3] =	wrdreg s4  }
0xaa: {  	[dreg:$0x4] =	wrdreg $0xC0  }
0xab: {  	_ =	task [dreg:s6], $0x5FFFF  }
0xac: {  	[dreg:$0x1] =	wrdreg $0xFFFFFFFF  }
0xad: {  	[dreg:$0x0] =	wrdreg $0x60  }
0xae: {  	[dreg:$0x2] =	wrdreg s24  }
0xaf: {  	[dreg:$0x3] =	wrdreg $0x41000  }
0xb0: {  	[dreg:$0x4] =	wrdreg $0x9  }
0xb1: {  	_ =	task.clear_ibuf [dreg:s6], $0x5FFFF;
	_ =	strace $0x9000004C  }
0xb2: {  	s29 =	simm.s32 $0x9;
	_ =	strace $0x8000004E  }
0xb3: {  	_ =	swait.ge [sflag:s29], $0x1  }
0xb4: {  	[sflag:s29] =	ssyncadd.s32 $0xFFFFFFFF  }
0xb5: {  	_ =	strace $0x9000004E  }
0xb6: {  	_ =	sfence  }
0xb7: {  	s30 =	sld [smem:$0x0];
	_ =	sdelay $0x2  }
0xb8: {  	s31 =	sshll.u32 s1, $0xD;
	s1 =	sshrl.u32 s1, $0x2  }
0xb9: {  	s3 =	sand.u32 $0x4000, s31;
	s1 =	sadd.s32 s1, s30  }
0xba: {  	s0 =	sor.u32 s3, s0;
	s1 =	sshll.u32 s1, $0x11  }
0xbb: {  	s0 =	sor.u32 s1, s0  }
0xbc: {  	s0 =	sadd.s32 $0x8F2B, s0  }
0xbd: {  	[sflag:s0] =	ssyncadd.remote.s32 $0x1  }
0xbe: {  	_ =	sfence.sel $0xFFFF  }
0xbf: {  	[dreg:$0x0] =	wrdreg $0xFFFFFFFF;
	(pc) =	sbr.abs _section_cstart, $3  }
0xc0: {  	[dreg:$0x1] =	wrdreg $0xFFFFFFFF  }
0xc1: {  	_ =	task.clear_ibuf [dreg:s6], $0x2FFFF;
	_ =	strace $0x9FFFFFFF  }
0xc2: {  	(tm) =	ssettm $0x7FFFFFFF  }
0xc3: {  	_ =	shalt  }
tec
execute0_lowered:
.L_overlay_start_1:
0x0: {  	(tag) =	ssettag $0x1  }
0x1: {  	s6 =	rddreg [dreg:$0x0]  }
0x2: {  	s1 =	rddreg [dreg:$0x1];
	s2 =	srdreg.scid  }
0x3: {  	s0 =	rddreg [dreg:$0x2];
	s3 =	simm.s32 $0x0;
	s7 =	sand.u32 $0x1, s2  }
0x4: {  	s16 =	simm.s32 $0x2;
	s2 =	stileid.u32;
	s5 =	smul.u32 $0x140000, s7  }
0x5: {  	s17 =	simm.s32 $0x80;
	s18 =	simm.s32 $0x1;
	s8 =	smul.u32 $0x14000, s2  }
0x6: {  	s21 =	simm.s32 $0x0;
	[smem:$0x7FF] =	sst s3;
	s9 =	smul.u32 $0xA00, s2  }
0x7: {  	s4 =	sadd.s32 $0x68200, s6;
	_ =	strace $0x8000004D;
	s10 =	smul.u32 $0x50000, s2  }
0x8: {  	s29 =	ssub.s32 $0x2, s7;
	s13 =	smul.u32 $0x500, s7;
	s19 =	sshll.u32 s2, $0x6  }
0x9: {  	s31 =	sshrl.u32 s29, $0x1;
	s19 =	sor.u32 $0x1C02, s19;
	s8 =	sadd.s32 s8, s5  }
0xa: {  	s11 =	sadd.s32 s9, s6;
	s5 =	sadd.s32 $0xD200, s6;
	s30 =	sshrl.u32 s10, $0x2  }
0xb: {  	s14 =	ssub.s32 s29, s31;
	s8 =	sshrl.u32 s8, $0x3;
	s15 =	sadd.s32 s13, s11  }
0xc: {  	s12 =	sadd.s32 s8, s6;
	s6 =	sadd.s32 s30, s1;
	s13 =	sadd.s32 $0x3200, s15  }
0xd: {  	s7 =	sadd.s32 $0x4000, s6;
	s8 =	sadd.s32 $0x8000, s6;
	s9 =	sadd.s32 $0xC000, s6  }
0xe: {  	s10 =	sadd.s32 $0x10000, s6;
	s11 =	sadd.s32 $0x90200, s12;
	s12 =	smax.u32 s14, $0x1  }
0xf: {  	s14 =	sadd.s32 $0x5E200, s15;
	s15 =	simm.s32 $0x100;
	s20 =	sshrl.u32 s6, $0x3  }
.LBB2_1:
0x10: {  	[tilespmem:s15], [sflag:$0x2] =	stream.linear.gather [hbm4b:s5+s3], $0x4000, $0x38;
	[tilespmem:$0x18100] =	vst v63  }
0x11: {  	_ =	swait.ge [sflag:s16], $0x4000  }
0x12: {  	[sflag:s16] =	ssyncset.done $0x0  }
0x13: {  	[sflag:s16] =	ssyncadd.s32 $0xFFFFC000  }
0x14: {  	[spmem:s6] =	stream.linear.scatter [tilespmem:s15], [sflag:$0x2], $0x4000, $0x38;
	[tilespmem:$0x18100] =	vst v63  }
0x15: {  	_ =	swait.ge [sflag:s16], $0x4000  }
0x16: {  	[sflag:s16] =	ssyncset.done $0x0  }
0x17: {  	[sflag:s16] =	ssyncadd.s32 $0xFFFFC000  }
0x18: {  	[spmem:s7] =	stream.linear.scatter [tilespmem:s15], [sflag:$0x2], $0x4000, $0x38;
	[tilespmem:$0x18100] =	vst v63  }
0x19: {  	_ =	swait.ge [sflag:s16], $0x4000  }
0x1a: {  	[sflag:s16] =	ssyncset.done $0x0  }
0x1b: {  	[sflag:s16] =	ssyncadd.s32 $0xFFFFC000  }
0x1c: {  	[spmem:s8] =	stream.linear.scatter [tilespmem:s15], [sflag:$0x2], $0x4000, $0x38;
	[tilespmem:$0x18100] =	vst v63  }
0x1d: {  	_ =	swait.ge [sflag:s16], $0x4000  }
0x1e: {  	[sflag:s16] =	ssyncset.done $0x0  }
0x1f: {  	[sflag:s16] =	ssyncadd.s32 $0xFFFFC000  }
0x20: {  	[spmem:s9] =	stream.linear.scatter [tilespmem:s15], [sflag:$0x2], $0x4000, $0x38;
	[tilespmem:$0x18100] =	vst v63  }
0x21: {  	_ =	swait.ge [sflag:s16], $0x4000  }
0x22: {  	[sflag:s16] =	ssyncset.done $0x0  }
0x23: {  	[sflag:s16] =	ssyncadd.s32 $0xFFFFC000  }
0x24: {  	[spmem:s10] =	stream.linear.scatter [tilespmem:s15], [sflag:$0x2], $0x4000, $0x38;
	[tilespmem:$0x18100] =	vst v63  }
0x25: {  	_ =	swait.ge [sflag:s16], $0x4000  }
0x26: {  	[sflag:s16] =	ssyncset.done $0x0  }
0x27: {  	[sflag:s16] =	ssyncadd.s32 $0xFFFFC000  }
0x28: {  	s22 =	sadd.s32 $0x0, s14;
	[bflag:$0x0] =	sbarrier.arrive $0xFFFF  }
0x29: {  	[tilespmem:s3], [sflag:$0x2] =	stream.linear.gather [hbm4b:s22+s3], $0x80, $0x38;
	[tilespmem:$0x18100] =	vst v63  }
0x2a: {  	_ =	swait.ge [sflag:s16], $0x80  }
0x2b: {  	[sflag:s16] =	ssyncset.done $0x0  }
0x2c: {  	s31 =	sadd.s32 $0x0, s13;
	[sflag:s16] =	ssyncadd.s32 $0xFFFFFF80  }
0x2d: {  	[tilespmem:s17], [sflag:$0x2] =	stream.linear.gather [hbm4b:s31+s3], $0x80, $0x38;
	[tilespmem:$0x18100] =	vst v63  }
0x2e: {  	_ =	swait.ge [sflag:s16], $0x80  }
0x2f: {  	[sflag:s16] =	ssyncset.done $0x0  }
0x30: {  	[sflag:s16] =	ssyncadd.s32 $0xFFFFFF80  }
0x31: {  	[tilespmem:s15], [sflag:$0x1] =	stream.indirect.gather [hbm4b:s4+s17], $0x80, s3, s17, $0xb8;
	[tilespmem:$0x18100] =	vst v63  }
0x32: {  	_ =	swait.ge [sflag:s18], $0x4000  }
0x33: {  	[sflag:s18] =	ssyncset.done $0x0  }
0x34: {  	[sflag:s18] =	ssyncadd.s32 $0xFFFFC000  }
0x35: {  	[spmem:s1] =	stream.indirect.scatter.add.f32 [tilespmem:s15], [sflag:$0x2], $0x80, s17, s17, $0xb8;
	[tilespmem:$0x18100] =	vst v63  }
0x36: {  	_ =	swait.ge [sflag:s16], $0x4000  }
0x37: {  	s23 =	simm.s32 $0x20;
	s22 =	simm.s32 $0x10;
	[sflag:s16] =	ssyncset.done $0x0  }
.LBB2_2:
0x38: {  	s24 =	sadd.s32 s22, s14  }
0x39: {  	[sflag:s16] =	ssyncadd.s32 $0xFFFFC000;
	s25 =	smov.u32 s23;
	s26 =	sadd.s32 $0x10, s23  }
0x3a: {  	[tilespmem:s3], [sflag:$0x2] =	stream.linear.gather [hbm4b:s24+s3], $0x80, $0x38;
	[tilespmem:$0x18100] =	vst v63  }
0x3b: {  	p0 =	sne.s32 s23, $0x4F0;
	_ =	swait.ge [sflag:s16], $0x80  }
0x3c: {  	[sflag:s16] =	ssyncset.done $0x0  }
0x3d: {  	s23 =	sadd.s32 s22, s13;
	s22 =	smov.u32 s25;
	[sflag:s16] =	ssyncadd.s32 $0xFFFFFF80  }
0x3e: {  	[tilespmem:s17], [sflag:$0x2] =	stream.linear.gather [hbm4b:s23+s3], $0x80, $0x38;
	[tilespmem:$0x18100] =	vst v63  }
0x3f: {  	_ =	swait.ge [sflag:s16], $0x80  }
0x40: {  	[sflag:s16] =	ssyncset.done $0x0  }
0x41: {  	[sflag:s16] =	ssyncadd.s32 $0xFFFFFF80  }
0x42: {  	[tilespmem:s15], [sflag:$0x1] =	stream.indirect.gather [hbm4b:s4+s17], $0x80, s3, s17, $0xb8;
	[tilespmem:$0x18100] =	vst v63  }
0x43: {  	_ =	swait.ge [sflag:s18], $0x4000  }
.Ltmp0:
0x44: {  	[sflag:s18] =	ssyncset.done $0x0;
	(pc) =	sbr.rel @p0 .LBB2_2-.Ltmp0, $4  }
0x45: {  	[sflag:s18] =	ssyncadd.s32 $0xFFFFC000  }
0x46: {  	[spmem:s1] =	stream.indirect.scatter.add.f32 [tilespmem:s15], [sflag:$0x2], $0x80, s17, s17, $0xb8;
	[tilespmem:$0x18100] =	vst v63  }
0x47: {  	_ =	swait.ge [sflag:s16], $0x4000  }
0x48: {  	s23 =	smov.u32 s26;
	[sflag:s16] =	ssyncset.done $0x0  }
0x49: {  	s23 =	sadd.s32 s22, s14;
	[sflag:s16] =	ssyncadd.s32 $0xFFFFC000  }
0x4a: {  	[tilespmem:s3], [sflag:$0x2] =	stream.linear.gather [hbm4b:s23+s3], $0x80, $0x38;
	[tilespmem:$0x18100] =	vst v63  }
0x4b: {  	_ =	swait.ge [sflag:s16], $0x80  }
0x4c: {  	[sflag:s16] =	ssyncset.done $0x0  }
0x4d: {  	s31 =	sadd.s32 s22, s13;
	[sflag:s16] =	ssyncadd.s32 $0xFFFFFF80  }
0x4e: {  	[tilespmem:s17], [sflag:$0x2] =	stream.linear.gather [hbm4b:s31+s3], $0x80, $0x38;
	[tilespmem:$0x18100] =	vst v63  }
0x4f: {  	_ =	swait.ge [sflag:s16], $0x80  }
0x50: {  	[sflag:s16] =	ssyncset.done $0x0  }
0x51: {  	[sflag:s16] =	ssyncadd.s32 $0xFFFFFF80  }
0x52: {  	[tilespmem:s15], [sflag:$0x1] =	stream.indirect.gather [hbm4b:s4+s17], $0x80, s3, s17, $0xb8;
	[tilespmem:$0x18100] =	vst v63  }
0x53: {  	_ =	swait.ge [sflag:s18], $0x4000  }
0x54: {  	[sflag:s18] =	ssyncset.done $0x0  }
0x55: {  	[sflag:s18] =	ssyncadd.s32 $0xFFFFC000  }
0x56: {  	[spmem:s1] =	stream.indirect.scatter.add.f32 [tilespmem:s15], [sflag:$0x2], $0x80, s17, s17, $0xb8;
	[tilespmem:$0x18100] =	vst v63  }
0x57: {  	_ =	swait.ge [sflag:s16], $0x4000  }
0x58: {  	s21 =	sadd.s32 $0x1, s21;
	[sflag:s16] =	ssyncset.done $0x0  }
0x59: {  	p0 =	sne.s32 s21, s12;
	[sflag:s16] =	ssyncadd.s32 $0xFFFFC000  }
.Ltmp1:
0x5a: {  	[bflag:$0x0] =	sbarrier.arrive $0xFFFF;
	(pc) =	sbr.rel @p0 .LBB2_1-.Ltmp1, $4  }
0x5b: {  	[hbm:s11], [sflag:s19] =	dma.local [spmem:s20], $0x2800  }
0x5c: {  	_ =	swait.ge [sflag:s16], $0x2800  }
0x5d: {  	[sflag:s16] =	ssyncset.done $0x0  }
0x5e: {  	[sflag:s16] =	ssyncadd.s32 $0xFFFFD800  }
0x5f: {  	_ =	sfence.sel $0x180000  }
0x60: {  	[bflag:$0x0] =	sbarrier.arrive $0xFFFF  }
0x61: {  	p0 =	sne.s32 s2, $0x0;
	_ =	strace $0x9000004D  }
0x62: {  	s0 =	sadd.s32 @!p0 $0x100000, s0;
	[bflag:$0x2] =	sbarrier.arrive $0xFFFF  }
0x63: {  	[sflag:s0] =	ssyncadd.tile.s32 @!p0 $0x1;
	_ =	shalt  }
.Lfunc_end2:
_tile_overlayer_lowered:
.L_overlay_start_2:
0x64: {  	(tag) =	ssettag $0x2  }
0x65: {  	s0 =	rddreg [dreg:$0x0];
	s2 =	stileid.u32  }
0x66: {  	s1 =	rddreg [dreg:$0x1];
	p0 =	sne.s32 s2, $0x0  }
0x67: {  	s3 =	rddreg [dreg:$0x2];
	[bflag:$0x3] =	sbarrier.arrive $0xFFFF;
	s2 =	simm.s32 @!p0 $0x1C02  }
0x68: {  	[timem:s3], [sflag:s2] =	dma.local @!p0 [hbm:s0], s1  }
0x69: {  	s0 =	simm.s32 @!p0 $0x2  }
0x6a: {  	_ =	swait.ge @!p0 [sflag:s0], s1  }
0x6b: {  	s1 =	ssub.s32 @!p0 $0x0, s1;
	[sflag:s0] =	ssyncset.done @!p0 $0x0  }
0x6c: {  	[sflag:s0] =	ssyncadd.s32 @!p0 s1  }
0x6d: {  	[bflag:$0x3] =	sbarrier.arrive $0xFFFF  }
0x6e: {  	_ =	shalt  }

// kernel: kernel.19.cloned.1.call-start
scs
__scs_entry_jumppad:
0x0: {  	(pc) =	sbr.rel $0x88, $3  }
0x1: {  	(tag) =	ssettag $0x0;
	lr =	simm.s32 $0x1  }
0x2: {  	[smem:$0x3F96] =	sst lr;
	_ =	strace $0xD0000000  }
0x3: {  	_ = 	snop  }
0x4: {  	_ = 	snop  }
0x5: {  	_ = 	snop  }
0x6: {  	_ = 	snop  }
0x7: {  	_ = 	snop  }
__scs_overlays_trampoline_lowered:
0x8: {  	[smem:$0x3FA5] =	sst s0  }
0x9: {  	[smem:$0x3FA6] =	sst s1  }
0xa: {  	[smem:$0x3FA7] =	sst s2  }
0xb: {  	[smem:$0x3FA8] =	sst s3  }
0xc: {  	[smem:$0x3FA9] =	sst s4  }
0xd: {  	[smem:$0x3FAA] =	sst s5  }
0xe: {  	[smem:$0x3FAB] =	sst s6  }
0xf: {  	[smem:$0x3FAC] =	sst s7  }
0x10: {  	[smem:$0x3FAD] =	sst s8  }
0x11: {  	[smem:$0x3FAE] =	sst s9;
	s0 =	simm.s32 @!p0 $0x0  }
0x12: {  	s1 =	sld [smem:$0x3F94];
	s0 =	simm.s32 @p0 $0x1  }
0x13: {  	[smem:$0x3FAF] =	sst s0;
	s0 =	simm.s32 @!p1 $0x0  }
0x14: {  	s2 =	sld [smem:$0x3F93];
	s0 =	simm.s32 @p1 $0x1  }
0x15: {  	[smem:$0x3FB0] =	sst s0;
	s0 =	simm.s32 @!p2 $0x0  }
0x16: {  	s3 =	sld [smem:$0x3FDB];
	s0 =	simm.s32 @p2 $0x1  }
0x17: {  	s4 =	simm.s32 $0x1BF5;
	[smem:$0x3FB2] =	sst s0  }
0x18: {  	s0 =	sld [smem:$0x3F95];
	_ =	swait.ge [sflag:s4], $0x0  }
0x19: {  	s7 =	sld [smem:$0x3F96]  }
0x1a: {  	s8 =	sadd.s32 $0xFFFFE003, lr  }
0x1b: {  	s9 =	sadd.s32 $0xFFFFFEF7, lr;
	s5 =	simm.s32 $0xFFFFFFFF;
	p2 =	slt.u32 s8, $0xFFFFF086  }
0x1c: {  	p1 =	slt.u32 s9, $0xF7A;
	s5 =	simm.s32 @!p2 $0x0  }
0x1d: {  	s5 =	simm.s32 @p1 $0x1;
	p0 =	seq.s32 s7, s2  }
0x1e: {  	s7 =	smul.u32 @!p0 $0xF7A, s2;
	p2 =	seq.s32 @!p0 s5, $0x0  }
0x1f: {  	s9 =	smul.u32 $0xF7A, s1;
	s8 =	simm.s32 @!p0 $0x1BF5;
	p2 =	por !p2, p0  }
0x20: {  	[sflag:s8] =	ssyncset.s32 @!p0 $0xFFFFF086;
	s6 =	sadd.s32 @!p0 s3, s7;
	s7 =	simm.s32 @!p0 $0x108  }
0x21: {  	s3 =	sadd.s32 s3, s9;
	s6 =	sadd.s32 @!p0 $0x88, s6;
	s7 =	simm.s32 @p2 $0x1082  }
0x22: {  	[simem:s7], [sflag:s8] =	dma.local @!p0 [hbm:s6], $0xF7A  }
0x23: {  	s9 =	sor.u32 $0xD0000000, s2;
	s6 =	simm.s32 $0x108;
	_ =	swait.ge @!p0 [sflag:s8], $0x0  }
0x24: {  	s3 =	sadd.s32 $0x88, s3;
	s6 =	simm.s32 @!p1 $0x1082;
	[sflag:s4] =	ssyncset.s32 $0xFFFFF086  }
0x25: {  	[simem:s6], [sflag:s4] =	dma.local [hbm:s3], $0xF7A  }
0x26: {  	[smem:$0x3F96] =	sst s1;
	(tag) =	ssettag s2;
	_ =	strace s9  }
0x27: {  	s1 =	sld [smem:$0x3FA6]  }
0x28: {  	s2 =	sld [smem:$0x3FA7]  }
0x29: {  	s4 =	sld [smem:$0x3FA9]  }
0x2a: {  	p0 =	seq.s32 s5, $0x0;
	s5 =	sld [smem:$0x3FAA]  }
0x2b: {  	s6 =	sld [smem:$0x3FAB]  }
0x2c: {  	s7 =	sld [smem:$0x3FAC]  }
0x2d: {  	s3 =	simm.s32 $0x108;
	s8 =	sld [smem:$0x3FAD]  }
0x2e: {  	s3 =	simm.s32 @!p0 $0x1082;
	s9 =	sld [smem:$0x3FAE]  }
0x2f: {  	lr =	sadd.s32 s0, s3;
	s0 =	sld [smem:$0x3FA5]  }
0x30: {  	s3 =	sld [smem:$0x3FA8]  }
0x31: {  	[smem:$0x3FB1] =	sst s10  }
0x32: {  	s10 =	sld [smem:$0x3FAF];
	_ =	sdelay $0x3  }
0x33: {  	p0 =	seq.s32 s10, $0x1;
	s10 =	sld [smem:$0x3FB1];
	_ =	sdelay $0x3  }
0x34: {  	[smem:$0x3FB1] =	sst s10  }
0x35: {  	s10 =	sld [smem:$0x3FB0];
	_ =	sdelay $0x3  }
0x36: {  	p1 =	seq.s32 s10, $0x1;
	s10 =	sld [smem:$0x3FB1];
	_ =	sdelay $0x3  }
0x37: {  	[smem:$0x3FB1] =	sst s10  }
0x38: {  	s10 =	sld [smem:$0x3FB2]  }
0x39: {  	_ = 	snop;
	(pc) =	sbr.ind lr, $3  }
0x3a: {  	_ = 	snop  }
0x3b: {  	_ = 	snop  }
0x3c: {  	p2 =	seq.s32 s10, $0x1;
	s10 =	sld [smem:$0x3FB1]  }
0x3d: {  	_ =	shalt  }
0x3e: {  	_ =	shalt  }
0x3f: {  	_ =	shalt  }
0x40: {  	_ =	shalt  }
0x41: {  	_ =	shalt  }
0x42: {  	_ =	shalt  }
0x43: {  	_ =	shalt  }
0x44: {  	_ =	shalt  }
0x45: {  	_ =	shalt  }
0x46: {  	_ =	shalt  }
0x47: {  	_ =	shalt  }
0x48: {  	_ =	shalt  }
0x49: {  	_ =	shalt  }
0x4a: {  	_ =	shalt  }
0x4b: {  	_ =	shalt  }
0x4c: {  	_ =	shalt  }
0x4d: {  	_ =	shalt  }
0x4e: {  	_ =	shalt  }
0x4f: {  	_ =	shalt  }
0x50: {  	_ =	shalt  }
0x51: {  	_ =	shalt  }
0x52: {  	_ =	shalt  }
0x53: {  	_ =	shalt  }
0x54: {  	_ =	shalt  }
0x55: {  	_ =	shalt  }
0x56: {  	_ =	shalt  }
0x57: {  	_ =	shalt  }
0x58: {  	_ =	shalt  }
0x59: {  	_ =	shalt  }
0x5a: {  	_ =	shalt  }
0x5b: {  	_ =	shalt  }
0x5c: {  	_ =	shalt  }
0x5d: {  	_ =	shalt  }
0x5e: {  	_ =	shalt  }
0x5f: {  	_ =	shalt  }
0x60: {  	_ =	shalt  }
0x61: {  	_ =	shalt  }
0x62: {  	_ =	shalt  }
0x63: {  	_ =	shalt  }
0x64: {  	_ =	shalt  }
0x65: {  	_ =	shalt  }
0x66: {  	_ =	shalt  }
0x67: {  	_ =	shalt  }
0x68: {  	_ =	shalt  }
0x69: {  	_ =	shalt  }
0x6a: {  	_ =	shalt  }
0x6b: {  	_ =	shalt  }
0x6c: {  	_ =	shalt  }
0x6d: {  	_ =	shalt  }
0x6e: {  	_ =	shalt  }
0x6f: {  	_ =	shalt  }
0x70: {  	_ =	shalt  }
0x71: {  	_ =	shalt  }
0x72: {  	_ =	shalt  }
0x73: {  	_ =	shalt  }
0x74: {  	_ =	shalt  }
0x75: {  	_ =	shalt  }
0x76: {  	_ =	shalt  }
0x77: {  	_ =	shalt  }
0x78: {  	_ =	shalt  }
0x79: {  	_ =	shalt  }
0x7a: {  	_ =	shalt  }
0x7b: {  	_ =	shalt  }
0x7c: {  	_ =	shalt  }
0x7d: {  	_ =	shalt  }
0x7e: {  	_ =	shalt  }
0x7f: {  	_ =	shalt  }
0x80: {  	_ =	shalt  }
0x81: {  	_ =	shalt  }
0x82: {  	_ =	shalt  }
0x83: {  	_ =	shalt  }
0x84: {  	_ =	shalt  }
0x85: {  	_ =	shalt  }
0x86: {  	_ =	shalt  }
0x87: {  	_ =	shalt  }
.Lfunc_end0:
.L_simem_size_0:
called_computation.3_lowered:
.L_overlay_start_0:
0x88: {  	s2 =	sld [smem:$0x3FD9]  }
0x89: {  	s3 =	sld [smem:$0x3FFE];
	_ =	sdelay $0x1  }
0x8a: {  	s1 =	srdreg.scid  }
0x8b: {  	s0 =	sand.u32 $0x1, s1  }
0x8c: {  	s16 =	sshll.u32 s0, $0xA;
	s2 =	sadd.s32 s3, s2  }
0x8d: {  	s2 =	sadd.s32 s2, s16  }
0x8e: {  	[smem:$0x3FBD] =	sst s2  }
0x8f: {  	_ = 	snop  }
0x90: {  	(tm) =	ssettm $0x1  }
0x91: {  	s17 =	sld [smem:$0x3FFB];
	_ =	sdelay $0x3  }
0x92: {  	_ =	strace s17  }
0x93: {  	s2 =	sld [smem:$0x3FFC];
	_ =	sdelay $0x3  }
0x94: {  	_ =	strace s2  }
0x95: {  	s2 =	sld [smem:$0x3FFD];
	_ =	sdelay $0x3  }
0x96: {  	_ =	strace s2  }
0x97: {  	_ =	strace $0x8FFFFFFF  }
0x98: {  	s18 =	sld [smem:$0x3FDB];
	_ =	sdelay $0x1  }
0x99: {  	s19 =	simm.s32 $_scs_section_size  }
0x9a: {  	s4 =	simm.s32 $_size__tile_overlayer_lowered;
	s5 =	simm.s32 $_tile_overlayer_lowered  }
0x9b: {  	s22 =	simm.s32 $0x1BFF;
	s21 =	sshll.u32 s5, $0x1;
	s2 =	sadd.s32 s19, s18  }
0x9c: {  	s6 =	simm.s32 $0x0;
	s20 =	sshll.u32 s4, $0x1;
	s4 =	sadd.s32 s21, s2  }
0x9d: {  	[timem:s6], [sflag:s22] =	dma.local [hbm:s4], s20  }
0x9e: {  	_ =	swait.ge [sflag:s22], s20  }
0x9f: {  	s3 =	ssub.s32 $0x0, s20;
	[sflag:s22] =	ssyncset.done $0x0  }
0xa0: {  	[sflag:s22] =	ssyncadd.s32 s3;
	_ =	sdelay $0x1  }
0xa1: {  	s23 =	simm.s32 $0x1B8B  }
0xa2: {  	_ =	swait.ge [sflag:s23], $0x1  }
0xa3: {  	[sflag:s23] =	ssyncset.done $0x0  }
0xa4: {  	s25 =	simm.s32 $0x1B8E;
	s24 =	sld [smem:$0x3FFE];
	[sflag:s23] =	ssyncadd.s32 $0xFFFFFFFF  }
0xa5: {  	s26 =	simm.s32 $execute0_lowered;
	[smem:$0x3FD2] =	sst s25  }
0xa6: {  	s4 =	sshll.u32 s26, $0x1;
	_ =	strace $0x8000004F;
	[dreg:$0x1] =	wrdreg $0xFFFFFFFF  }
0xa7: {  	s28 =	simm.s32 $_size_execute0_lowered;
	s2 =	sadd.s32 s2, s4;
	[dreg:$0x0] =	wrdreg $0x0  }
0xa8: {  	s4 =	sshll.u32 s28, $0x1;
	[dreg:$0x2] =	wrdreg s2  }
0xa9: {  	[dreg:$0x3] =	wrdreg s4  }
0xaa: {  	[dreg:$0x4] =	wrdreg $0xC0  }
0xab: {  	_ =	task [dreg:s6], $0x5FFFF  }
0xac: {  	[dreg:$0x1] =	wrdreg $0xFFFFFFFF  }
0xad: {  	[dreg:$0x0] =	wrdreg $0x60  }
0xae: {  	[dreg:$0x2] =	wrdreg s24  }
0xaf: {  	[dreg:$0x3] =	wrdreg $0x41000  }
0xb0: {  	[dreg:$0x4] =	wrdreg $0x9  }
0xb1: {  	_ =	task.clear_ibuf [dreg:s6], $0x5FFFF;
	_ =	strace $0x9000004F  }
0xb2: {  	s29 =	simm.s32 $0x9;
	_ =	strace $0x80000051  }
0xb3: {  	_ =	swait.ge [sflag:s29], $0x1  }
0xb4: {  	[sflag:s29] =	ssyncadd.s32 $0xFFFFFFFF  }
0xb5: {  	_ =	strace $0x90000051  }
0xb6: {  	_ =	sfence  }
0xb7: {  	s30 =	sld [smem:$0x0];
	_ =	sdelay $0x2  }
0xb8: {  	s31 =	sshll.u32 s1, $0xD;
	s1 =	sshrl.u32 s1, $0x2  }
0xb9: {  	s3 =	sand.u32 $0x4000, s31;
	s1 =	sadd.s32 s1, s30  }
0xba: {  	s0 =	sor.u32 s3, s0;
	s1 =	sshll.u32 s1, $0x11  }
0xbb: {  	s0 =	sor.u32 s1, s0  }
0xbc: {  	s0 =	sadd.s32 $0x8F2B, s0  }
0xbd: {  	[sflag:s0] =	ssyncadd.remote.s32 $0x1  }
0xbe: {  	_ =	sfence.sel $0xFFFF  }
0xbf: {  	[dreg:$0x0] =	wrdreg $0xFFFFFFFF;
	(pc) =	sbr.abs _section_cstart, $3  }
0xc0: {  	[dreg:$0x1] =	wrdreg $0xFFFFFFFF  }
0xc1: {  	_ =	task.clear_ibuf [dreg:s6], $0x2FFFF;
	_ =	strace $0x9FFFFFFF  }
0xc2: {  	(tm) =	ssettm $0x7FFFFFFF  }
0xc3: {  	_ =	shalt  }
tec
execute0_lowered:
.L_overlay_start_1:
0x0: {  	(tag) =	ssettag $0x1  }
0x1: {  	s6 =	rddreg [dreg:$0x0]  }
0x2: {  	s1 =	rddreg [dreg:$0x1];
	s2 =	srdreg.scid  }
0x3: {  	s0 =	rddreg [dreg:$0x2];
	s3 =	simm.s32 $0x0;
	s7 =	sand.u32 $0x1, s2  }
0x4: {  	s16 =	simm.s32 $0x2;
	s2 =	stileid.u32;
	s5 =	smul.u32 $0x140000, s7  }
0x5: {  	s17 =	simm.s32 $0x80;
	s18 =	simm.s32 $0x1;
	s8 =	smul.u32 $0x14000, s2  }
0x6: {  	s21 =	simm.s32 $0x0;
	[smem:$0x7FF] =	sst s3;
	s9 =	smul.u32 $0xA00, s2  }
0x7: {  	s4 =	sadd.s32 $0x68200, s6;
	_ =	strace $0x80000050;
	s10 =	smul.u32 $0x50000, s2  }
0x8: {  	s29 =	ssub.s32 $0x2, s7;
	s13 =	smul.u32 $0x500, s7;
	s19 =	sshll.u32 s2, $0x6  }
0x9: {  	s31 =	sshrl.u32 s29, $0x1;
	s19 =	sor.u32 $0x1C02, s19;
	s8 =	sadd.s32 s8, s5  }
0xa: {  	s11 =	sadd.s32 s9, s6;
	s5 =	sadd.s32 $0xD200, s6;
	s30 =	sshrl.u32 s10, $0x2  }
0xb: {  	s14 =	ssub.s32 s29, s31;
	s8 =	sshrl.u32 s8, $0x3;
	s15 =	sadd.s32 s13, s11  }
0xc: {  	s12 =	sadd.s32 s8, s6;
	s6 =	sadd.s32 s30, s1;
	s13 =	sadd.s32 $0x3200, s15  }
0xd: {  	s7 =	sadd.s32 $0x4000, s6;
	s8 =	sadd.s32 $0x8000, s6;
	s9 =	sadd.s32 $0xC000, s6  }
0xe: {  	s10 =	sadd.s32 $0x10000, s6;
	s11 =	sadd.s32 $0x90200, s12;
	s12 =	smax.u32 s14, $0x1  }
0xf: {  	s14 =	sadd.s32 $0x5E200, s15;
	s15 =	simm.s32 $0x100;
	s20 =	sshrl.u32 s6, $0x3  }
.LBB2_1:
0x10: {  	[tilespmem:s15], [sflag:$0x2] =	stream.linear.gather [hbm4b:s5+s3], $0x4000, $0x38;
	[tilespmem:$0x18100] =	vst v63  }
0x11: {  	_ =	swait.ge [sflag:s16], $0x4000  }
0x12: {  	[sflag:s16] =	ssyncset.done $0x0  }
0x13: {  	[sflag:s16] =	ssyncadd.s32 $0xFFFFC000  }
0x14: {  	[spmem:s6] =	stream.linear.scatter [tilespmem:s15], [sflag:$0x2], $0x4000, $0x38;
	[tilespmem:$0x18100] =	vst v63  }
0x15: {  	_ =	swait.ge [sflag:s16], $0x4000  }
0x16: {  	[sflag:s16] =	ssyncset.done $0x0  }
0x17: {  	[sflag:s16] =	ssyncadd.s32 $0xFFFFC000  }
0x18: {  	[spmem:s7] =	stream.linear.scatter [tilespmem:s15], [sflag:$0x2], $0x4000, $0x38;
	[tilespmem:$0x18100] =	vst v63  }
0x19: {  	_ =	swait.ge [sflag:s16], $0x4000  }
0x1a: {  	[sflag:s16] =	ssyncset.done $0x0  }
0x1b: {  	[sflag:s16] =	ssyncadd.s32 $0xFFFFC000  }
0x1c: {  	[spmem:s8] =	stream.linear.scatter [tilespmem:s15], [sflag:$0x2], $0x4000, $0x38;
	[tilespmem:$0x18100] =	vst v63  }
0x1d: {  	_ =	swait.ge [sflag:s16], $0x4000  }
0x1e: {  	[sflag:s16] =	ssyncset.done $0x0  }
0x1f: {  	[sflag:s16] =	ssyncadd.s32 $0xFFFFC000  }
0x20: {  	[spmem:s9] =	stream.linear.scatter [tilespmem:s15], [sflag:$0x2], $0x4000, $0x38;
	[tilespmem:$0x18100] =	vst v63  }
0x21: {  	_ =	swait.ge [sflag:s16], $0x4000  }
0x22: {  	[sflag:s16] =	ssyncset.done $0x0  }
0x23: {  	[sflag:s16] =	ssyncadd.s32 $0xFFFFC000  }
0x24: {  	[spmem:s10] =	stream.linear.scatter [tilespmem:s15], [sflag:$0x2], $0x4000, $0x38;
	[tilespmem:$0x18100] =	vst v63  }
0x25: {  	_ =	swait.ge [sflag:s16], $0x4000  }
0x26: {  	[sflag:s16] =	ssyncset.done $0x0  }
0x27: {  	[sflag:s16] =	ssyncadd.s32 $0xFFFFC000  }
0x28: {  	s22 =	sadd.s32 $0x0, s14;
	[bflag:$0x0] =	sbarrier.arrive $0xFFFF  }
0x29: {  	[tilespmem:s3], [sflag:$0x2] =	stream.linear.gather [hbm4b:s22+s3], $0x80, $0x38;
	[tilespmem:$0x18100] =	vst v63  }
0x2a: {  	_ =	swait.ge [sflag:s16], $0x80  }
0x2b: {  	[sflag:s16] =	ssyncset.done $0x0  }
0x2c: {  	s31 =	sadd.s32 $0x0, s13;
	[sflag:s16] =	ssyncadd.s32 $0xFFFFFF80  }
0x2d: {  	[tilespmem:s17], [sflag:$0x2] =	stream.linear.gather [hbm4b:s31+s3], $0x80, $0x38;
	[tilespmem:$0x18100] =	vst v63  }
0x2e: {  	_ =	swait.ge [sflag:s16], $0x80  }
0x2f: {  	[sflag:s16] =	ssyncset.done $0x0  }
0x30: {  	[sflag:s16] =	ssyncadd.s32 $0xFFFFFF80  }
0x31: {  	[tilespmem:s15], [sflag:$0x1] =	stream.indirect.gather [hbm4b:s4+s17], $0x80, s3, s17, $0xb8;
	[tilespmem:$0x18100] =	vst v63  }
0x32: {  	_ =	swait.ge [sflag:s18], $0x4000  }
0x33: {  	[sflag:s18] =	ssyncset.done $0x0  }
0x34: {  	[sflag:s18] =	ssyncadd.s32 $0xFFFFC000  }
0x35: {  	[spmem:s1] =	stream.indirect.scatter.add.f32 [tilespmem:s15], [sflag:$0x2], $0x80, s17, s17, $0xb8;
	[tilespmem:$0x18100] =	vst v63  }
0x36: {  	_ =	swait.ge [sflag:s16], $0x4000  }
0x37: {  	s23 =	simm.s32 $0x20;
	s22 =	simm.s32 $0x10;
	[sflag:s16] =	ssyncset.done $0x0  }
.LBB2_2:
0x38: {  	s24 =	sadd.s32 s22, s14  }
0x39: {  	[sflag:s16] =	ssyncadd.s32 $0xFFFFC000;
	s25 =	smov.u32 s23;
	s26 =	sadd.s32 $0x10, s23  }
0x3a: {  	[tilespmem:s3], [sflag:$0x2] =	stream.linear.gather [hbm4b:s24+s3], $0x80, $0x38;
	[tilespmem:$0x18100] =	vst v63  }
0x3b: {  	p0 =	sne.s32 s23, $0x4F0;
	_ =	swait.ge [sflag:s16], $0x80  }
0x3c: {  	[sflag:s16] =	ssyncset.done $0x0  }
0x3d: {  	s23 =	sadd.s32 s22, s13;
	s22 =	smov.u32 s25;
	[sflag:s16] =	ssyncadd.s32 $0xFFFFFF80  }
0x3e: {  	[tilespmem:s17], [sflag:$0x2] =	stream.linear.gather [hbm4b:s23+s3], $0x80, $0x38;
	[tilespmem:$0x18100] =	vst v63  }
0x3f: {  	_ =	swait.ge [sflag:s16], $0x80  }
0x40: {  	[sflag:s16] =	ssyncset.done $0x0  }
0x41: {  	[sflag:s16] =	ssyncadd.s32 $0xFFFFFF80  }
0x42: {  	[tilespmem:s15], [sflag:$0x1] =	stream.indirect.gather [hbm4b:s4+s17], $0x80, s3, s17, $0xb8;
	[tilespmem:$0x18100] =	vst v63  }
0x43: {  	_ =	swait.ge [sflag:s18], $0x4000  }
.Ltmp0:
0x44: {  	[sflag:s18] =	ssyncset.done $0x0;
	(pc) =	sbr.rel @p0 .LBB2_2-.Ltmp0, $4  }
0x45: {  	[sflag:s18] =	ssyncadd.s32 $0xFFFFC000  }
0x46: {  	[spmem:s1] =	stream.indirect.scatter.add.f32 [tilespmem:s15], [sflag:$0x2], $0x80, s17, s17, $0xb8;
	[tilespmem:$0x18100] =	vst v63  }
0x47: {  	_ =	swait.ge [sflag:s16], $0x4000  }
0x48: {  	s23 =	smov.u32 s26;
	[sflag:s16] =	ssyncset.done $0x0  }
0x49: {  	s23 =	sadd.s32 s22, s14;
	[sflag:s16] =	ssyncadd.s32 $0xFFFFC000  }
0x4a: {  	[tilespmem:s3], [sflag:$0x2] =	stream.linear.gather [hbm4b:s23+s3], $0x80, $0x38;
	[tilespmem:$0x18100] =	vst v63  }
0x4b: {  	_ =	swait.ge [sflag:s16], $0x80  }
0x4c: {  	[sflag:s16] =	ssyncset.done $0x0  }
0x4d: {  	s31 =	sadd.s32 s22, s13;
	[sflag:s16] =	ssyncadd.s32 $0xFFFFFF80  }
0x4e: {  	[tilespmem:s17], [sflag:$0x2] =	stream.linear.gather [hbm4b:s31+s3], $0x80, $0x38;
	[tilespmem:$0x18100] =	vst v63  }
0x4f: {  	_ =	swait.ge [sflag:s16], $0x80  }
0x50: {  	[sflag:s16] =	ssyncset.done $0x0  }
0x51: {  	[sflag:s16] =	ssyncadd.s32 $0xFFFFFF80  }
0x52: {  	[tilespmem:s15], [sflag:$0x1] =	stream.indirect.gather [hbm4b:s4+s17], $0x80, s3, s17, $0xb8;
	[tilespmem:$0x18100] =	vst v63  }
0x53: {  	_ =	swait.ge [sflag:s18], $0x4000  }
0x54: {  	[sflag:s18] =	ssyncset.done $0x0  }
0x55: {  	[sflag:s18] =	ssyncadd.s32 $0xFFFFC000  }
0x56: {  	[spmem:s1] =	stream.indirect.scatter.add.f32 [tilespmem:s15], [sflag:$0x2], $0x80, s17, s17, $0xb8;
	[tilespmem:$0x18100] =	vst v63  }
0x57: {  	_ =	swait.ge [sflag:s16], $0x4000  }
0x58: {  	s21 =	sadd.s32 $0x1, s21;
	[sflag:s16] =	ssyncset.done $0x0  }
0x59: {  	p0 =	sne.s32 s21, s12;
	[sflag:s16] =	ssyncadd.s32 $0xFFFFC000  }
.Ltmp1:
0x5a: {  	[bflag:$0x0] =	sbarrier.arrive $0xFFFF;
	(pc) =	sbr.rel @p0 .LBB2_1-.Ltmp1, $4  }
0x5b: {  	[hbm:s11], [sflag:s19] =	dma.local [spmem:s20], $0x2800  }
0x5c: {  	_ =	swait.ge [sflag:s16], $0x2800  }
0x5d: {  	[sflag:s16] =	ssyncset.done $0x0  }
0x5e: {  	[sflag:s16] =	ssyncadd.s32 $0xFFFFD800  }
0x5f: {  	_ =	sfence.sel $0x180000  }
0x60: {  	[bflag:$0x0] =	sbarrier.arrive $0xFFFF  }
0x61: {  	p0 =	sne.s32 s2, $0x0;
	_ =	strace $0x90000050  }
0x62: {  	s0 =	sadd.s32 @!p0 $0x100000, s0;
	[bflag:$0x2] =	sbarrier.arrive $0xFFFF  }
0x63: {  	[sflag:s0] =	ssyncadd.tile.s32 @!p0 $0x1;
	_ =	shalt  }
.Lfunc_end2:
_tile_overlayer_lowered:
.L_overlay_start_2:
0x64: {  	(tag) =	ssettag $0x2  }
0x65: {  	s0 =	rddreg [dreg:$0x0];
	s2 =	stileid.u32  }
0x66: {  	s1 =	rddreg [dreg:$0x1];
	p0 =	sne.s32 s2, $0x0  }
0x67: {  	s3 =	rddreg [dreg:$0x2];
	[bflag:$0x3] =	sbarrier.arrive $0xFFFF;
	s2 =	simm.s32 @!p0 $0x1C02  }
0x68: {  	[timem:s3], [sflag:s2] =	dma.local @!p0 [hbm:s0], s1  }
0x69: {  	s0 =	simm.s32 @!p0 $0x2  }
0x6a: {  	_ =	swait.ge @!p0 [sflag:s0], s1  }
0x6b: {  	s1 =	ssub.s32 @!p0 $0x0, s1;
	[sflag:s0] =	ssyncset.done @!p0 $0x0  }
0x6c: {  	[sflag:s0] =	ssyncadd.s32 @!p0 s1  }
0x6d: {  	[bflag:$0x3] =	sbarrier.arrive $0xFFFF  }
0x6e: {  	_ =	shalt  }

</sc_bundles>
